<compile_context>
chip_gen: v7x
topology: tpu7x:2x2x1
jax: 0.10.2.dev20260603
libtpu: 0.0.44.dev20260713+nightly
codegen_flags: <defaults>
</compile_context>

<pallas_src>
import functools

import jax
import jax.numpy as jnp
from jax import lax
from jax.experimental import pallas as pl
from jax.experimental.pallas import tpu as pltpu
from jax.experimental.pallas import tpu_sc as plsc

NEG = -3.0e38
IBIG = 2**31 - 1


def _make_topk_call(mode, q_total, qb, d, kbook, tile, topk, interpret=False):
    kt = (kbook + tile - 1) // tile

    def body(*refs):
        if mode == "cos":
            z_ref, bt_ref, vals_out, idx_out, rv, ri, sm = refs
        else:
            z_ref, bt_ref, bb_ref, vals_out, idx_out, rv, ri, sm = refs
        j = pl.program_id(1)

        @pl.when(j == 0)
        def _init():
            rv[...] = jnp.full((qb, topk), NEG, jnp.float32)
            ri[...] = (
                lax.broadcasted_iota(jnp.int32, (qb, topk), 1)
                + jnp.int32(0x40000000)
            )

        z = z_ref[...]
        bt = bt_ref[...]
        s = lax.dot_general(
            z, bt, (((1,), (0,)), ((), ())),
            preferred_element_type=jnp.float32,
        )
        if mode == "euc":
            zz = jnp.sum(z * z, axis=1, keepdims=True)
            s = 2.0 * s - zz - bb_ref[...]
        col = j * tile + lax.broadcasted_iota(jnp.int32, (1, tile), 1)
        s = jnp.where(col < kbook, s, NEG)
        sm[...] = s
        iota = lax.broadcasted_iota(jnp.int32, (qb, topk), 1)

        def cond(c):
            m, thr = c
            return jnp.any(m > thr)

        def loop_body(c):
            m, thr = c
            s_cur = sm[...]
            sel = jnp.min(jnp.where(s_cur == m, col, IBIG), axis=1,
                          keepdims=True)
            run_v = rv[...]
            run_i = ri[...]
            upd = m > thr
            pos = jnp.sum((run_v >= m).astype(jnp.int32), axis=1,
                          keepdims=True)
            pos = jnp.where(upd, pos, topk)
            sh_v = jnp.concatenate([run_v[:, :1], run_v[:, :topk - 1]],
                                   axis=1)
            sh_i = jnp.concatenate([run_i[:, :1], run_i[:, :topk - 1]],
                                   axis=1)
            nv = jnp.where(iota < pos, run_v,
                           jnp.where(iota == pos, m, sh_v))
            ni = jnp.where(iota < pos, run_i,
                           jnp.where(iota == pos, sel, sh_i))
            rv[...] = nv
            ri[...] = ni
            s_new = jnp.where(col == sel, NEG, s_cur)
            sm[...] = s_new
            m_new = jnp.max(s_new, axis=1, keepdims=True)
            return m_new, nv[:, topk - 1:topk]

        m0 = jnp.max(s, axis=1, keepdims=True)
        thr0 = rv[:, topk - 1:topk]
        lax.while_loop(cond, loop_body, (m0, thr0))

        @pl.when(j == kt - 1)
        def _flush():
            vals_out[...] = rv[...]
            idx_out[...] = ri[...]

    in_specs = [
        pl.BlockSpec((qb, d), lambda i, j: (i, 0)),
        pl.BlockSpec((d, tile), lambda i, j: (0, j)),
    ]
    if mode == "euc":
        in_specs.append(pl.BlockSpec((1, tile), lambda i, j: (0, j)))
    return pl.pallas_call(
        body,
        grid=(q_total // qb, kt),
        in_specs=in_specs,
        out_specs=[
            pl.BlockSpec((qb, topk), lambda i, j: (i, 0)),
            pl.BlockSpec((qb, topk), lambda i, j: (i, 0)),
        ],
        out_shape=[
            jax.ShapeDtypeStruct((q_total, topk), jnp.float32),
            jax.ShapeDtypeStruct((q_total, topk), jnp.int32),
        ],
        scratch_shapes=[
            pltpu.VMEM((qb, topk), jnp.float32),
            pltpu.VMEM((qb, topk), jnp.int32),
            pltpu.VMEM((qb, tile), jnp.float32),
        ],
        compiler_params=pltpu.CompilerParams(
            dimension_semantics=("parallel", "arbitrary"),
        ),
        interpret=interpret,
    )


Q, D, KBOOK, L, TOPK = 1024, 32, 100000, 3, 20
QB, TILE = 1024, 2048

_cos_call = _make_topk_call("cos", Q, QB, D, KBOOK, TILE, TOPK)
_euc_call = _make_topk_call("euc", Q, QB, D, KBOOK, TILE, TOPK)

_SC_NC, _SC_NS = 2, 16
_NW = _SC_NC * _SC_NS
_B = Q * TOPK
_BPW = _B // _NW
_LPAD = 128

@functools.cache
def _make_label_gather():
    mesh = plsc.VectorSubcoreMesh(core_axis_name="c", subcore_axis_name="s")

    @functools.partial(
        pl.kernel,
        mesh=mesh,
        out_type=jax.ShapeDtypeStruct((_B, _LPAD), jnp.float32),
        scratch_types=[
            pltpu.VMEM((_BPW,), jnp.int32),
            pltpu.VMEM((_BPW, _LPAD), jnp.float32),
            pltpu.SemaphoreType.DMA,
        ],
    )
    def gather(table_hbm, idx_hbm, out_hbm, idx_v, rows_v, sem):
        wid = lax.axis_index("s") * _SC_NC + lax.axis_index("c")
        base = wid * _BPW
        pltpu.sync_copy(idx_hbm.at[pl.ds(base, _BPW)], idx_v)
        pltpu.async_copy(table_hbm.at[idx_v], rows_v, sem).wait()
        pltpu.sync_copy(rows_v, out_hbm.at[pl.ds(base, _BPW)])

    return gather


def _labels(label_book, ind):
    pad = jnp.pad(label_book, ((0, 0), (0, _LPAD - L)))
    out = _make_label_gather()(pad, ind.reshape(-1))
    return out[:, :L].reshape(Q, TOPK, L)


@jax.jit
def kernel(z_rot, z_trans, z_rot_book, z_trans_book, rot_book, trans_book, k):
    q_rot = z_rot / jnp.linalg.norm(z_rot, ord=2, axis=1, keepdims=True)
    bb = jnp.sum(z_trans_book * z_trans_book, axis=1)[None, :]
    rot_vals, rot_ind = _cos_call(q_rot, z_rot_book.T)
    trans_vals, trans_ind = _euc_call(z_trans, z_trans_book.T, bb)
    rot_labels = _labels(rot_book, rot_ind)
    trans_labels = _labels(trans_book, trans_ind)
    return (rot_vals, rot_ind, rot_labels, trans_vals, trans_ind, trans_labels)

# --- scband reference (transcript-rebuilt; emitter-appended) ---
"""Pipeline reference for scband-codebook-47768626266382 (READ-ONLY COPY).

The authoritative reference and input builder live on the scoring server;
editing this copy changes nothing except your own understanding.
"""

import jax, jax.numpy as jnp
import numpy as np


def renorm(x):
    return x / jnp.linalg.norm(x, ord=2, axis=1, keepdims=True)


def setup_inputs(seed: int = 0) -> dict:
    key = jax.random.key(seed)
    ks = jax.random.split(key, 6)
    Q, K, D, L = 1024, 100000, 32, 3
    z_rot = jax.random.normal(ks[0], (Q, D), dtype=jnp.float32)
    z_trans = jax.random.normal(ks[1], (Q, D), dtype=jnp.float32)
    # rotation codebook is stored L2-normalized (renorm in create_codetensors)
    z_rot_book = renorm(jax.random.normal(ks[2], (K, D), dtype=jnp.float32))
    z_trans_book = jax.random.normal(ks[3], (K, D), dtype=jnp.float32)
    rot_book = jax.random.normal(ks[4], (K, L), dtype=jnp.float32)
    trans_book = jax.random.normal(ks[5], (K, L), dtype=jnp.float32)
    return {
        "z_rot": z_rot,
        "z_trans": z_trans,
        "z_rot_book": z_rot_book,
        "z_trans_book": z_trans_book,
        "rot_book": rot_book,
        "trans_book": trans_book,
        "k": 20,
    }


def get_nearest_cosine(z, z_book, label_book, k):
    z_ = renorm(z)
    # (z_[:, None, :] * z_book[None, :, :]).sum(2) == z_ @ z_book.T (same math, no [Q,K,D] blowup)
    z_cos = z_ @ z_book.T
    vals, ind = jax.lax.top_k(z_cos, k)
    labels = label_book[ind]
    return vals, ind, labels


def get_nearest_euclidean(z, z_book, label_book, k):
    # -((z[:,None,:] - z_book[None,:,:])**2).sum(2) expanded to avoid [Q,K,D] intermediate
    zz = jnp.sum(z * z, axis=1, keepdims=True)          # [Q,1]
    bb = jnp.sum(z_book * z_book, axis=1)[None, :]       # [1,K]
    m2 = -(zz - 2.0 * (z @ z_book.T) + bb)               # [Q,K]
    vals, ind = jax.lax.top_k(m2, k)
    labels = label_book[ind]
    return vals, ind, labels


def reference(z_rot, z_trans, z_rot_book, z_trans_book, rot_book, trans_book, k):
    k_static = 20
    k_zero = (jnp.asarray(k) - jnp.asarray(k))
    rot_vals, rot_ind, rot_labels = get_nearest_cosine(z_rot, z_rot_book, rot_book, k_static)
    trans_vals, trans_ind, trans_labels = get_nearest_euclidean(z_trans, z_trans_book, trans_book, k_static)
    rot_ind = rot_ind + k_zero.astype(rot_ind.dtype)
    trans_ind = trans_ind + k_zero.astype(trans_ind.dtype)
    return (rot_vals, rot_ind, rot_labels, trans_vals, trans_ind, trans_labels)

if __name__ == "__main__":
    import jax
    _d = setup_inputs()
    print(jax.jit(kernel)(*tuple(_d.values())))

</pallas_src>

<mosaic_0001>
#map = affine_map<(d0, d1) -> (0, 0)>
#map1 = affine_map<(d0, d1) -> (0)>
module attributes {stable_mosaic.version = 14 : i64} {
  func.func @gather(%arg0: i32, %arg1: i32, %arg2: memref<100000x128xf32, #tpu.memory_space<hbm>>, %arg3: memref<20480xi32, #tpu.memory_space<hbm>>, %arg4: memref<20480x128xf32, #tpu.memory_space<hbm>>, %arg5: memref<640xi32, #tpu.memory_space<vmem>>, %arg6: memref<640x128xf32, #tpu.memory_space<vmem>>, %arg7: memref<!tpu.dma_semaphore, #tpu.memory_space<semaphore_mem>>) attributes {dimension_semantics = [#tpu.dimension_semantics<core_parallel>, #tpu.dimension_semantics<subcore_parallel>], iteration_bounds = array<i64: 2, 16>, scalar_prefetch = 0 : i64, scratch_operands = 3 : i64, tpu.core_type = #tpu.core_type<sc_vector_subcore>, window_params = [{transform_indices = #map}, {transform_indices = #map1}, {transform_indices = #map}]} {
    %mul3A = arith.constant 2 : i32
    %mul3A_0 = arith.muli %arg1, %mul3A : i32
    %add3A = arith.addi %mul3A_0, %arg0 : i32
    %mul3A_1 = arith.constant 640 : i32
    %mul3A_2 = arith.muli %add3A, %mul3A_1 : i32
    "tpu.region"() ({
      %run_scoped3A = tpu.sem_alloc : memref<!tpu.dma_semaphore, #tpu.memory_space<semaphore_mem>>
      %dma_start3A_7 = tpu.memref_slice %arg3[%mul3A_2] : memref<20480xi32, #tpu.memory_space<hbm>> -> memref<640xi32, #tpu.memory_space<hbm>>
      %dma_start3A_8 = tpu.memref_slice %arg3[%mul3A_2] : memref<20480xi32, #tpu.memory_space<hbm>> -> memref<640xi32, #tpu.memory_space<hbm>>
      tpu.enqueue_dma source(%dma_start3A_8 : memref<640xi32, #tpu.memory_space<hbm>>) target(%arg5 : memref<640xi32, #tpu.memory_space<vmem>>) target_semaphore(%run_scoped3A : memref<!tpu.dma_semaphore, #tpu.memory_space<semaphore_mem>>)
      %dma_wait3A_9 = tpu.memref_slice %arg3[%mul3A_2] : memref<20480xi32, #tpu.memory_space<hbm>> -> memref<640xi32, #tpu.memory_space<hbm>>
      %dma_wait3A_10 = tpu.memref_slice %arg3[%mul3A_2] : memref<20480xi32, #tpu.memory_space<hbm>> -> memref<640xi32, #tpu.memory_space<hbm>>
      tpu.wait_dma2 semaphore(%run_scoped3A : memref<!tpu.dma_semaphore, #tpu.memory_space<semaphore_mem>>) src(%dma_wait3A_10 : memref<640xi32, #tpu.memory_space<hbm>>) dst(%arg5 : memref<640xi32, #tpu.memory_space<vmem>>)
      tpu.yield
    }) : () -> ()
    %dma_start3A = arith.constant 0 : i32
    %dma_start3A_3 = arith.constant 0 : i32
    %dma_start3A_4 = tpu.memref_slice %arg2[%dma_start3A, %dma_start3A_3] : memref<100000x128xf32, #tpu.memory_space<hbm>> -> memref<100000x128xf32, #tpu.memory_space<hbm>>
    tpu.enqueue_indirect_dma source(%dma_start3A_4 : memref<100000x128xf32, #tpu.memory_space<hbm>>) target(%arg6 : memref<640x128xf32, #tpu.memory_space<vmem>>) offsets(%arg5 : memref<640xi32, #tpu.memory_space<vmem>>) semaphore(%arg7 : memref<!tpu.dma_semaphore, #tpu.memory_space<semaphore_mem>>)
    %dma_wait3A = arith.constant 0 : i32
    %dma_wait3A_5 = arith.constant 0 : i32
    %dma_wait3A_6 = tpu.memref_slice %arg2[%dma_wait3A, %dma_wait3A_5] : memref<100000x128xf32, #tpu.memory_space<hbm>> -> memref<100000x128xf32, #tpu.memory_space<hbm>>
    tpu.wait_indirect_dma semaphore(%arg7 : memref<!tpu.dma_semaphore, #tpu.memory_space<semaphore_mem>>) src(%dma_wait3A_6 : memref<100000x128xf32, #tpu.memory_space<hbm>>) dst(%arg6 : memref<640x128xf32, #tpu.memory_space<vmem>>)
    "tpu.region"() ({
      %run_scoped3A = tpu.sem_alloc : memref<!tpu.dma_semaphore, #tpu.memory_space<semaphore_mem>>
      %dma_start3A_7 = arith.constant 0 : i32
      %dma_start3A_8 = tpu.memref_slice %arg4[%mul3A_2, %dma_start3A_7] : memref<20480x128xf32, #tpu.memory_space<hbm>> -> memref<640x128xf32, #tpu.memory_space<hbm>>
      %dma_start3A_9 = arith.constant 0 : i32
      %dma_start3A_10 = tpu.memref_slice %arg4[%mul3A_2, %dma_start3A_9] : memref<20480x128xf32, #tpu.memory_space<hbm>> -> memref<640x128xf32, #tpu.memory_space<hbm>>
      tpu.enqueue_dma source(%arg6 : memref<640x128xf32, #tpu.memory_space<vmem>>) target(%dma_start3A_10 : memref<640x128xf32, #tpu.memory_space<hbm>>) target_semaphore(%run_scoped3A : memref<!tpu.dma_semaphore, #tpu.memory_space<semaphore_mem>>)
      %dma_wait3A_11 = arith.constant 0 : i32
      %dma_wait3A_12 = tpu.memref_slice %arg4[%mul3A_2, %dma_wait3A_11] : memref<20480x128xf32, #tpu.memory_space<hbm>> -> memref<640x128xf32, #tpu.memory_space<hbm>>
      %dma_wait3A_13 = arith.constant 0 : i32
      %dma_wait3A_14 = tpu.memref_slice %arg4[%mul3A_2, %dma_wait3A_13] : memref<20480x128xf32, #tpu.memory_space<hbm>> -> memref<640x128xf32, #tpu.memory_space<hbm>>
      tpu.wait_dma2 semaphore(%run_scoped3A : memref<!tpu.dma_semaphore, #tpu.memory_space<semaphore_mem>>) src(%arg6 : memref<640x128xf32, #tpu.memory_space<vmem>>) dst(%dma_wait3A_14 : memref<640x128xf32, #tpu.memory_space<hbm>>)
      tpu.yield
    }) : () -> ()
    return
  }
}

#map = affine_map<(d0, d1) -> (0, 0)>
#map1 = affine_map<(d0, d1) -> (0)>
module attributes {stable_mosaic.version = 14 : i64} {
  func.func @gather(%arg0: i32, %arg1: i32, %arg2: memref<100000x128xf32, #tpu.memory_space<hbm>>, %arg3: memref<20480xi32, #tpu.memory_space<hbm>>, %arg4: memref<20480x128xf32, #tpu.memory_space<hbm>>, %arg5: memref<640xi32, #tpu.memory_space<vmem>>, %arg6: memref<640x128xf32, #tpu.memory_space<vmem>>, %arg7: memref<!tpu.dma_semaphore, #tpu.memory_space<semaphore_mem>>) attributes {dimension_semantics = [#tpu.dimension_semantics<core_parallel>, #tpu.dimension_semantics<subcore_parallel>], iteration_bounds = array<i64: 2, 16>, scalar_prefetch = 0 : i64, scratch_operands = 3 : i64, tpu.core_type = #tpu.core_type<sc_vector_subcore>, window_params = [{transform_indices = #map}, {transform_indices = #map1}, {transform_indices = #map}]} {
    %mul3A = arith.constant 2 : i32
    %mul3A_0 = arith.muli %arg1, %mul3A : i32
    %add3A = arith.addi %mul3A_0, %arg0 : i32
    %mul3A_1 = arith.constant 640 : i32
    %mul3A_2 = arith.muli %add3A, %mul3A_1 : i32
    "tpu.region"() ({
      %run_scoped3A = tpu.sem_alloc : memref<!tpu.dma_semaphore, #tpu.memory_space<semaphore_mem>>
      %dma_start3A_7 = tpu.memref_slice %arg3[%mul3A_2] : memref<20480xi32, #tpu.memory_space<hbm>> -> memref<640xi32, #tpu.memory_space<hbm>>
      %dma_start3A_8 = tpu.memref_slice %arg3[%mul3A_2] : memref<20480xi32, #tpu.memory_space<hbm>> -> memref<640xi32, #tpu.memory_space<hbm>>
      tpu.enqueue_dma source(%dma_start3A_8 : memref<640xi32, #tpu.memory_space<hbm>>) target(%arg5 : memref<640xi32, #tpu.memory_space<vmem>>) target_semaphore(%run_scoped3A : memref<!tpu.dma_semaphore, #tpu.memory_space<semaphore_mem>>)
      %dma_wait3A_9 = tpu.memref_slice %arg3[%mul3A_2] : memref<20480xi32, #tpu.memory_space<hbm>> -> memref<640xi32, #tpu.memory_space<hbm>>
      %dma_wait3A_10 = tpu.memref_slice %arg3[%mul3A_2] : memref<20480xi32, #tpu.memory_space<hbm>> -> memref<640xi32, #tpu.memory_space<hbm>>
      tpu.wait_dma2 semaphore(%run_scoped3A : memref<!tpu.dma_semaphore, #tpu.memory_space<semaphore_mem>>) src(%dma_wait3A_10 : memref<640xi32, #tpu.memory_space<hbm>>) dst(%arg5 : memref<640xi32, #tpu.memory_space<vmem>>)
      tpu.yield
    }) : () -> ()
    %dma_start3A = arith.constant 0 : i32
    %dma_start3A_3 = arith.constant 0 : i32
    %dma_start3A_4 = tpu.memref_slice %arg2[%dma_start3A, %dma_start3A_3] : memref<100000x128xf32, #tpu.memory_space<hbm>> -> memref<100000x128xf32, #tpu.memory_space<hbm>>
    tpu.enqueue_indirect_dma source(%dma_start3A_4 : memref<100000x128xf32, #tpu.memory_space<hbm>>) target(%arg6 : memref<640x128xf32, #tpu.memory_space<vmem>>) offsets(%arg5 : memref<640xi32, #tpu.memory_space<vmem>>) semaphore(%arg7 : memref<!tpu.dma_semaphore, #tpu.memory_space<semaphore_mem>>)
    %dma_wait3A = arith.constant 0 : i32
    %dma_wait3A_5 = arith.constant 0 : i32
    %dma_wait3A_6 = tpu.memref_slice %arg2[%dma_wait3A, %dma_wait3A_5] : memref<100000x128xf32, #tpu.memory_space<hbm>> -> memref<100000x128xf32, #tpu.memory_space<hbm>>
    tpu.wait_indirect_dma semaphore(%arg7 : memref<!tpu.dma_semaphore, #tpu.memory_space<semaphore_mem>>) src(%dma_wait3A_6 : memref<100000x128xf32, #tpu.memory_space<hbm>>) dst(%arg6 : memref<640x128xf32, #tpu.memory_space<vmem>>)
    "tpu.region"() ({
      %run_scoped3A = tpu.sem_alloc : memref<!tpu.dma_semaphore, #tpu.memory_space<semaphore_mem>>
      %dma_start3A_7 = arith.constant 0 : i32
      %dma_start3A_8 = tpu.memref_slice %arg4[%mul3A_2, %dma_start3A_7] : memref<20480x128xf32, #tpu.memory_space<hbm>> -> memref<640x128xf32, #tpu.memory_space<hbm>>
      %dma_start3A_9 = arith.constant 0 : i32
      %dma_start3A_10 = tpu.memref_slice %arg4[%mul3A_2, %dma_start3A_9] : memref<20480x128xf32, #tpu.memory_space<hbm>> -> memref<640x128xf32, #tpu.memory_space<hbm>>
      tpu.enqueue_dma source(%arg6 : memref<640x128xf32, #tpu.memory_space<vmem>>) target(%dma_start3A_10 : memref<640x128xf32, #tpu.memory_space<hbm>>) target_semaphore(%run_scoped3A : memref<!tpu.dma_semaphore, #tpu.memory_space<semaphore_mem>>)
      %dma_wait3A_11 = arith.constant 0 : i32
      %dma_wait3A_12 = tpu.memref_slice %arg4[%mul3A_2, %dma_wait3A_11] : memref<20480x128xf32, #tpu.memory_space<hbm>> -> memref<640x128xf32, #tpu.memory_space<hbm>>
      %dma_wait3A_13 = arith.constant 0 : i32
      %dma_wait3A_14 = tpu.memref_slice %arg4[%mul3A_2, %dma_wait3A_13] : memref<20480x128xf32, #tpu.memory_space<hbm>> -> memref<640x128xf32, #tpu.memory_space<hbm>>
      tpu.wait_dma2 semaphore(%run_scoped3A : memref<!tpu.dma_semaphore, #tpu.memory_space<semaphore_mem>>) src(%arg6 : memref<640x128xf32, #tpu.memory_space<vmem>>) dst(%dma_wait3A_14 : memref<640x128xf32, #tpu.memory_space<hbm>>)
      tpu.yield
    }) : () -> ()
    return
  }
}

module attributes {stable_mosaic.version = 14 : i64} {
  func.func @body(%arg0: i32, %arg1: i32, %arg2: memref<1024x32xf32, #tpu.memory_space<vmem>>, %arg3: memref<32x2048xf32, #tpu.memory_space<vmem>>, %arg4: memref<1024x20xf32, #tpu.memory_space<vmem>>, %arg5: memref<1024x20xi32, #tpu.memory_space<vmem>>, %arg6: memref<1024x20xf32, #tpu.memory_space<vmem>>, %arg7: memref<1024x20xi32, #tpu.memory_space<vmem>>, %arg8: memref<1024x2048xf32, #tpu.memory_space<vmem>>) attributes {dimension_semantics = [#tpu.dimension_semantics<parallel>, #tpu.dimension_semantics<arbitrary>], iteration_bounds = array<i64: 1, 49>, scalar_prefetch = 0 : i64, scratch_operands = 3 : i64, tpu.core_type = #tpu.core_type<tc>, window_params = [{transform_indices = @transform_0, window_bounds = array<i64: 1024, 32>}, {transform_indices = @transform_1, window_bounds = array<i64: 32, 2048>}, {transform_indices = @transform_2, window_bounds = array<i64: 1024, 20>}, {transform_indices = @transform_3, window_bounds = array<i64: 1024, 20>}]} {
    %eq3A = arith.constant 0 : i32
    %eq3A_0 = arith.cmpi eq, %arg1, %eq3A : i32
    %convert_element_type3A = arith.extui %eq3A_0 : i1 to i32
    %cond3A = arith.constant 0 : i32
    %cond3A_1 = arith.cmpi ne, %convert_element_type3A, %cond3A : i32
    scf.if %cond3A_1 {
      %broadcast_in_dim3A_27 = arith.constant -3.000000e+38 : f32
      %broadcast_in_dim3A_28 = vector.broadcast %broadcast_in_dim3A_27 : f32 to vector<1024x20xf32>
      %swap3A_29 = arith.constant 0 : index
      %swap3A_30 = arith.constant 0 : index
      %swap3A_31 = vector.load %arg6[%swap3A_29, %swap3A_30] : memref<1024x20xf32, #tpu.memory_space<vmem>>, vector<1024x20xf32>
      tpu.vector_store %arg6[%swap3A_29, %swap3A_30], %broadcast_in_dim3A_28 {strides = array<i32>} : memref<1024x20xf32, #tpu.memory_space<vmem>>, vector<1024x20xf32>,
      %iota3A_32 = tpu.iota {dimensions = array<i32: 1>} : vector<1024x20xi32>
      %add3A_33 = arith.constant 1073741824 : i32
      %add3A_34 = vector.broadcast %add3A_33 : i32 to vector<1024x20xi32>
      %add3A_35 = arith.addi %iota3A_32, %add3A_34 : vector<1024x20xi32>
      %swap3A_36 = arith.constant 0 : index
      %swap3A_37 = arith.constant 0 : index
      %swap3A_38 = vector.load %arg7[%swap3A_36, %swap3A_37] : memref<1024x20xi32, #tpu.memory_space<vmem>>, vector<1024x20xi32>
      tpu.vector_store %arg7[%swap3A_36, %swap3A_37], %add3A_35 {strides = array<i32>} : memref<1024x20xi32, #tpu.memory_space<vmem>>, vector<1024x20xi32>,
    } else {
    }
    %get3A = arith.constant 0 : index
    %get3A_2 = arith.constant 0 : index
    %get3A_3 = vector.load %arg2[%get3A, %get3A_2] : memref<1024x32xf32, #tpu.memory_space<vmem>>, vector<1024x32xf32>
    %get3A_4 = arith.constant 0 : index
    %get3A_5 = arith.constant 0 : index
    %get3A_6 = vector.load %arg3[%get3A_4, %get3A_5] : memref<32x2048xf32, #tpu.memory_space<vmem>>, vector<32x2048xf32>
    %dot_general3A = arith.constant dense<0.000000e+00> : vector<1024x2048xf32>
    %dot_general3A_7 = tpu.matmul %get3A_3, %get3A_6, %dot_general3A {dimension_numbers = #tpu.dot_dimension_numbers<[1], [0], [0], [1], [0, 0, 1, 1], [], []>, transpose_lhs_hint = false} : vector<1024x32xf32>, vector<32x2048xf32>, vector<1024x2048xf32> -> vector<1024x2048xf32>
    %mul3A = arith.constant 2048 : i32
    %mul3A_8 = arith.muli %arg1, %mul3A : i32
    %iota3A = tpu.iota {dimensions = array<i32: 1>} : vector<1x2048xi32>
    %add3A = vector.broadcast %mul3A_8 : i32 to vector<1x2048xi32>
    %add3A_9 = arith.addi %add3A, %iota3A : vector<1x2048xi32>
    %lt3A = arith.constant 100000 : i32
    %lt3A_10 = vector.broadcast %lt3A : i32 to vector<1x2048xi32>
    %lt3A_11 = arith.cmpi slt, %add3A_9, %lt3A_10 : vector<1x2048xi32>
    %jit3A = arith.constant -3.000000e+38 : f32
    %broadcast_in_dim3A = vector.shape_cast %lt3A_11 : vector<1x2048xi1> to vector<1x2048xi1>
    %broadcast_in_dim3A_12 = vector.broadcast %broadcast_in_dim3A : vector<1x2048xi1> to vector<1024x2048xi1>
    %broadcast_in_dim3A_13 = vector.broadcast %jit3A : f32 to vector<1024x2048xf32>
    %select_n3A = arith.select %broadcast_in_dim3A_12, %dot_general3A_7, %broadcast_in_dim3A_13 : vector<1024x2048xi1>, vector<1024x2048xf32>
    %swap3A = arith.constant 0 : index
    %swap3A_14 = arith.constant 0 : index
    %swap3A_15 = vector.load %arg8[%swap3A, %swap3A_14] : memref<1024x2048xf32, #tpu.memory_space<vmem>>, vector<1024x2048xf32>
    tpu.vector_store %arg8[%swap3A, %swap3A_14], %select_n3A {strides = array<i32>} : memref<1024x2048xf32, #tpu.memory_space<vmem>>, vector<1024x2048xf32>,
    %iota3A_16 = tpu.iota {dimensions = array<i32: 1>} : vector<1024x20xi32>
    %reduce_max3A = arith.constant dense<0xFF800000> : vector<1024xf32>
    %reduce_max3A_17 = vector.multi_reduction <maximumf>, %select_n3A, %reduce_max3A [1] : vector<1024x2048xf32> to vector<1024xf32>
    %broadcast_in_dim3A_18 = vector.shape_cast %reduce_max3A_17 : vector<1024xf32> to vector<1024x1xf32>
    %get3A_19 = arith.constant 0 : index
    %get3A_20 = arith.constant 19 : index
    %get3A_21 = vector.load %arg6[%get3A_19, %get3A_20] : memref<1024x20xf32, #tpu.memory_space<vmem>>, vector<1024x1xf32>
    %while3A:2 = scf.while (%while3A_27 = %broadcast_in_dim3A_18, %while3A_28 = %get3A_21) : (vector<1024x1xf32>, vector<1024x1xf32>) -> (vector<1024x1xf32>, vector<1024x1xf32>) {
      %gt3A = arith.cmpf ogt, %while3A_27, %while3A_28 : vector<1024x1xf32>
      %reduce_or3A = arith.constant 1.000000e+00 : f32
      %reduce_or3A_29 = arith.constant 0.000000e+00 : f32
      %reduce_or3A_30 = vector.broadcast %reduce_or3A : f32 to vector<1024x1xf32>
      %reduce_or3A_31 = vector.broadcast %reduce_or3A_29 : f32 to vector<1024x1xf32>
      %reduce_or3A_32 = arith.select %gt3A, %reduce_or3A_30, %reduce_or3A_31 : vector<1024x1xi1>, vector<1024x1xf32>
      %reduce_or3A_33 = vector.shape_cast %reduce_or3A_32 : vector<1024x1xf32> to vector<1x1024x1xf32>
      %reduce_or3A_34 = arith.constant dense<0xFF800000> : vector<1xf32>
      %reduce_or3A_35 = vector.multi_reduction <maximumf>, %reduce_or3A_33, %reduce_or3A_34 [1, 2] : vector<1x1024x1xf32> to vector<1xf32>
      %reduce_or3A_36 = vector.shape_cast %reduce_or3A_35 : vector<1xf32> to vector<1x1x1xf32>
      %reduce_or3A_37 = vector.extract %reduce_or3A_36[0, 0, 0] : f32 from vector<1x1x1xf32>
      %reduce_or3A_38 = arith.constant 0.000000e+00 : f32
      %reduce_or3A_39 = arith.cmpf ogt, %reduce_or3A_37, %reduce_or3A_38 : f32
      scf.condition(%reduce_or3A_39) %while3A_27, %while3A_28 : vector<1024x1xf32>, vector<1024x1xf32>
    } do {
    ^bb0(%while3A_27: vector<1024x1xf32>, %while3A_28: vector<1024x1xf32>):
      %get3A_29 = arith.constant 0 : index
      %get3A_30 = arith.constant 0 : index
      %get3A_31 = vector.load %arg8[%get3A_29, %get3A_30] : memref<1024x2048xf32, #tpu.memory_space<vmem>>, vector<1024x2048xf32>
      %eq3A_32 = vector.broadcast %while3A_27 : vector<1024x1xf32> to vector<1024x2048xf32>
      %eq3A_33 = arith.cmpf oeq, %get3A_31, %eq3A_32 : vector<1024x2048xf32>
      %jit3A_34 = arith.constant 2147483647 : i32
      %broadcast_in_dim3A_35 = vector.shape_cast %add3A_9 : vector<1x2048xi32> to vector<1x2048xi32>
      %broadcast_in_dim3A_36 = vector.broadcast %broadcast_in_dim3A_35 : vector<1x2048xi32> to vector<1024x2048xi32>
      %broadcast_in_dim3A_37 = vector.broadcast %jit3A_34 : i32 to vector<1024x2048xi32>
      %select_n3A_38 = arith.select %eq3A_33, %broadcast_in_dim3A_36, %broadcast_in_dim3A_37 : vector<1024x2048xi1>, vector<1024x2048xi32>
      %reduce_min3A = arith.constant dense<2147483647> : vector<1024xi32>
      %reduce_min3A_39 = vector.multi_reduction <minsi>, %select_n3A_38, %reduce_min3A [1] : vector<1024x2048xi32> to vector<1024xi32>
      %broadcast_in_dim3A_40 = vector.shape_cast %reduce_min3A_39 : vector<1024xi32> to vector<1024x1xi32>
      %get3A_41 = arith.constant 0 : index
      %get3A_42 = arith.constant 0 : index
      %get3A_43 = vector.load %arg6[%get3A_41, %get3A_42] : memref<1024x20xf32, #tpu.memory_space<vmem>>, vector<1024x20xf32>
      %get3A_44 = arith.constant 0 : index
      %get3A_45 = arith.constant 0 : index
      %get3A_46 = vector.load %arg7[%get3A_44, %get3A_45] : memref<1024x20xi32, #tpu.memory_space<vmem>>, vector<1024x20xi32>
      %gt3A = arith.cmpf ogt, %while3A_27, %while3A_28 : vector<1024x1xf32>
      %ge3A = vector.broadcast %while3A_27 : vector<1024x1xf32> to vector<1024x20xf32>
      %ge3A_47 = arith.cmpf oge, %get3A_43, %ge3A : vector<1024x20xf32>
      %convert_element_type3A_48 = arith.extui %ge3A_47 : vector<1024x20xi1> to vector<1024x20xi32>
      %reduce_sum3A = arith.constant dense<0> : vector<1024xi32>
      %reduce_sum3A_49 = vector.multi_reduction <add>, %convert_element_type3A_48, %reduce_sum3A [1] : vector<1024x20xi32> to vector<1024xi32>
      %broadcast_in_dim3A_50 = vector.shape_cast %reduce_sum3A_49 : vector<1024xi32> to vector<1024x1xi32>
      %jit3A_51 = arith.constant 20 : i32
      %broadcast_in_dim3A_52 = vector.broadcast %jit3A_51 : i32 to vector<1024x1xi32>
      %select_n3A_53 = arith.select %gt3A, %broadcast_in_dim3A_50, %broadcast_in_dim3A_52 : vector<1024x1xi1>, vector<1024x1xi32>
      %slice3A = vector.extract_strided_slice %get3A_43 {offsets = [0, 0], sizes = [1024, 1], strides = [1, 1]} : vector<1024x20xf32> to vector<1024x1xf32>
      %slice3A_54 = vector.extract_strided_slice %get3A_43 {offsets = [0, 0], sizes = [1024, 19], strides = [1, 1]} : vector<1024x20xf32> to vector<1024x19xf32>
      %concatenate3A = tpu.concatenate %slice3A, %slice3A_54 in 1 : vector<1024x1xf32>, vector<1024x19xf32> -> vector<1024x20xf32>
      %slice3A_55 = vector.extract_strided_slice %get3A_46 {offsets = [0, 0], sizes = [1024, 1], strides = [1, 1]} : vector<1024x20xi32> to vector<1024x1xi32>
      %slice3A_56 = vector.extract_strided_slice %get3A_46 {offsets = [0, 0], sizes = [1024, 19], strides = [1, 1]} : vector<1024x20xi32> to vector<1024x19xi32>
      %concatenate3A_57 = tpu.concatenate %slice3A_55, %slice3A_56 in 1 : vector<1024x1xi32>, vector<1024x19xi32> -> vector<1024x20xi32>
      %lt3A_58 = vector.broadcast %select_n3A_53 : vector<1024x1xi32> to vector<1024x20xi32>
      %lt3A_59 = arith.cmpi slt, %iota3A_16, %lt3A_58 : vector<1024x20xi32>
      %eq3A_60 = vector.broadcast %select_n3A_53 : vector<1024x1xi32> to vector<1024x20xi32>
      %eq3A_61 = arith.cmpi eq, %iota3A_16, %eq3A_60 : vector<1024x20xi32>
      %broadcast_in_dim3A_62 = vector.shape_cast %while3A_27 : vector<1024x1xf32> to vector<1024x1xf32>
      %broadcast_in_dim3A_63 = vector.broadcast %broadcast_in_dim3A_62 : vector<1024x1xf32> to vector<1024x20xf32>
      %select_n3A_64 = arith.select %eq3A_61, %broadcast_in_dim3A_63, %concatenate3A : vector<1024x20xi1>, vector<1024x20xf32>
      %select_n3A_65 = arith.select %lt3A_59, %get3A_43, %select_n3A_64 : vector<1024x20xi1>, vector<1024x20xf32>
      %lt3A_66 = vector.broadcast %select_n3A_53 : vector<1024x1xi32> to vector<1024x20xi32>
      %lt3A_67 = arith.cmpi slt, %iota3A_16, %lt3A_66 : vector<1024x20xi32>
      %eq3A_68 = vector.broadcast %select_n3A_53 : vector<1024x1xi32> to vector<1024x20xi32>
      %eq3A_69 = arith.cmpi eq, %iota3A_16, %eq3A_68 : vector<1024x20xi32>
      %broadcast_in_dim3A_70 = vector.shape_cast %broadcast_in_dim3A_40 : vector<1024x1xi32> to vector<1024x1xi32>
      %broadcast_in_dim3A_71 = vector.broadcast %broadcast_in_dim3A_70 : vector<1024x1xi32> to vector<1024x20xi32>
      %select_n3A_72 = arith.select %eq3A_69, %broadcast_in_dim3A_71, %concatenate3A_57 : vector<1024x20xi1>, vector<1024x20xi32>
      %select_n3A_73 = arith.select %lt3A_67, %get3A_46, %select_n3A_72 : vector<1024x20xi1>, vector<1024x20xi32>
      %swap3A_74 = arith.constant 0 : index
      %swap3A_75 = arith.constant 0 : index
      %swap3A_76 = vector.load %arg6[%swap3A_74, %swap3A_75] : memref<1024x20xf32, #tpu.memory_space<vmem>>, vector<1024x20xf32>
      tpu.vector_store %arg6[%swap3A_74, %swap3A_75], %select_n3A_65 {strides = array<i32>} : memref<1024x20xf32, #tpu.memory_space<vmem>>, vector<1024x20xf32>,
      %swap3A_77 = arith.constant 0 : index
      %swap3A_78 = arith.constant 0 : index
      %swap3A_79 = vector.load %arg7[%swap3A_77, %swap3A_78] : memref<1024x20xi32, #tpu.memory_space<vmem>>, vector<1024x20xi32>
      tpu.vector_store %arg7[%swap3A_77, %swap3A_78], %select_n3A_73 {strides = array<i32>} : memref<1024x20xi32, #tpu.memory_space<vmem>>, vector<1024x20xi32>,
      %eq3A_80 = vector.broadcast %add3A_9 : vector<1x2048xi32> to vector<1024x2048xi32>
      %eq3A_81 = vector.broadcast %broadcast_in_dim3A_40 : vector<1024x1xi32> to vector<1024x2048xi32>
      %eq3A_82 = arith.cmpi eq, %eq3A_80, %eq3A_81 : vector<1024x2048xi32>
      %jit3A_83 = arith.constant -3.000000e+38 : f32
      %broadcast_in_dim3A_84 = vector.broadcast %jit3A_83 : f32 to vector<1024x2048xf32>
      %select_n3A_85 = arith.select %eq3A_82, %broadcast_in_dim3A_84, %get3A_31 : vector<1024x2048xi1>, vector<1024x2048xf32>
      %swap3A_86 = arith.constant 0 : index
      %swap3A_87 = arith.constant 0 : index
      %swap3A_88 = vector.load %arg8[%swap3A_86, %swap3A_87] : memref<1024x2048xf32, #tpu.memory_space<vmem>>, vector<1024x2048xf32>
      tpu.vector_store %arg8[%swap3A_86, %swap3A_87], %select_n3A_85 {strides = array<i32>} : memref<1024x2048xf32, #tpu.memory_space<vmem>>, vector<1024x2048xf32>,
      %reduce_max3A_89 = arith.constant dense<0xFF800000> : vector<1024xf32>
      %reduce_max3A_90 = vector.multi_reduction <maximumf>, %select_n3A_85, %reduce_max3A_89 [1] : vector<1024x2048xf32> to vector<1024xf32>
      %broadcast_in_dim3A_91 = vector.shape_cast %reduce_max3A_90 : vector<1024xf32> to vector<1024x1xf32>
      %slice3A_92 = vector.extract_strided_slice %select_n3A_65 {offsets = [0, 19], sizes = [1024, 1], strides = [1, 1]} : vector<1024x20xf32> to vector<1024x1xf32>
      scf.yield %broadcast_in_dim3A_91, %slice3A_92 : vector<1024x1xf32>, vector<1024x1xf32>
    }
    %eq3A_22 = arith.constant 48 : i32
    %eq3A_23 = arith.cmpi eq, %arg1, %eq3A_22 : i32
    %convert_element_type3A_24 = arith.extui %eq3A_23 : i1 to i32
    %cond3A_25 = arith.constant 0 : i32
    %cond3A_26 = arith.cmpi ne, %convert_element_type3A_24, %cond3A_25 : i32
    scf.if %cond3A_26 {
      %get3A_27 = arith.constant 0 : index
      %get3A_28 = arith.constant 0 : index
      %get3A_29 = vector.load %arg6[%get3A_27, %get3A_28] : memref<1024x20xf32, #tpu.memory_space<vmem>>, vector<1024x20xf32>
      %swap3A_30 = arith.constant 0 : index
      %swap3A_31 = arith.constant 0 : index
      %swap3A_32 = vector.load %arg4[%swap3A_30, %swap3A_31] : memref<1024x20xf32, #tpu.memory_space<vmem>>, vector<1024x20xf32>
      tpu.vector_store %arg4[%swap3A_30, %swap3A_31], %get3A_29 {strides = array<i32>} : memref<1024x20xf32, #tpu.memory_space<vmem>>, vector<1024x20xf32>,
      %get3A_33 = arith.constant 0 : index
      %get3A_34 = arith.constant 0 : index
      %get3A_35 = vector.load %arg7[%get3A_33, %get3A_34] : memref<1024x20xi32, #tpu.memory_space<vmem>>, vector<1024x20xi32>
      %swap3A_36 = arith.constant 0 : index
      %swap3A_37 = arith.constant 0 : index
      %swap3A_38 = vector.load %arg5[%swap3A_36, %swap3A_37] : memref<1024x20xi32, #tpu.memory_space<vmem>>, vector<1024x20xi32>
      tpu.vector_store %arg5[%swap3A_36, %swap3A_37], %get3A_35 {strides = array<i32>} : memref<1024x20xi32, #tpu.memory_space<vmem>>, vector<1024x20xi32>,
    } else {
    }
    return
  }
  func.func @transform_0(%arg0: i32, %arg1: i32) -> (i32, i32) {
    %c0_i32 = arith.constant 0 : i32
    %c0_i32_0 = arith.constant 0 : i32
    return %arg0, %c0_i32 : i32, i32
  }
  func.func @transform_1(%arg0: i32, %arg1: i32) -> (i32, i32) {
    %c0_i32 = arith.constant 0 : i32
    %c0_i32_0 = arith.constant 0 : i32
    return %c0_i32, %arg1 : i32, i32
  }
  func.func @transform_2(%arg0: i32, %arg1: i32) -> (i32, i32) {
    %c0_i32 = arith.constant 0 : i32
    %c0_i32_0 = arith.constant 0 : i32
    return %arg0, %c0_i32 : i32, i32
  }
  func.func @transform_3(%arg0: i32, %arg1: i32) -> (i32, i32) {
    %c0_i32 = arith.constant 0 : i32
    %c0_i32_0 = arith.constant 0 : i32
    return %arg0, %c0_i32 : i32, i32
  }
}

module attributes {stable_mosaic.version = 14 : i64} {
  func.func @body(%arg0: i32, %arg1: i32, %arg2: memref<1024x32xf32, #tpu.memory_space<vmem>>, %arg3: memref<32x2048xf32, #tpu.memory_space<vmem>>, %arg4: memref<1x2048xf32, #tpu.memory_space<vmem>>, %arg5: memref<1024x20xf32, #tpu.memory_space<vmem>>, %arg6: memref<1024x20xi32, #tpu.memory_space<vmem>>, %arg7: memref<1024x20xf32, #tpu.memory_space<vmem>>, %arg8: memref<1024x20xi32, #tpu.memory_space<vmem>>, %arg9: memref<1024x2048xf32, #tpu.memory_space<vmem>>) attributes {dimension_semantics = [#tpu.dimension_semantics<parallel>, #tpu.dimension_semantics<arbitrary>], iteration_bounds = array<i64: 1, 49>, scalar_prefetch = 0 : i64, scratch_operands = 3 : i64, tpu.core_type = #tpu.core_type<tc>, window_params = [{transform_indices = @transform_0, window_bounds = array<i64: 1024, 32>}, {transform_indices = @transform_1, window_bounds = array<i64: 32, 2048>}, {transform_indices = @transform_2, window_bounds = array<i64: 1, 2048>}, {transform_indices = @transform_3, window_bounds = array<i64: 1024, 20>}, {transform_indices = @transform_4, window_bounds = array<i64: 1024, 20>}]} {
    %eq3A = arith.constant 0 : i32
    %eq3A_0 = arith.cmpi eq, %arg1, %eq3A : i32
    %convert_element_type3A = arith.extui %eq3A_0 : i1 to i32
    %cond3A = arith.constant 0 : i32
    %cond3A_1 = arith.cmpi ne, %convert_element_type3A, %cond3A : i32
    scf.if %cond3A_1 {
      %broadcast_in_dim3A_39 = arith.constant -3.000000e+38 : f32
      %broadcast_in_dim3A_40 = vector.broadcast %broadcast_in_dim3A_39 : f32 to vector<1024x20xf32>
      %swap3A_41 = arith.constant 0 : index
      %swap3A_42 = arith.constant 0 : index
      %swap3A_43 = vector.load %arg7[%swap3A_41, %swap3A_42] : memref<1024x20xf32, #tpu.memory_space<vmem>>, vector<1024x20xf32>
      tpu.vector_store %arg7[%swap3A_41, %swap3A_42], %broadcast_in_dim3A_40 {strides = array<i32>} : memref<1024x20xf32, #tpu.memory_space<vmem>>, vector<1024x20xf32>,
      %iota3A_44 = tpu.iota {dimensions = array<i32: 1>} : vector<1024x20xi32>
      %add3A_45 = arith.constant 1073741824 : i32
      %add3A_46 = vector.broadcast %add3A_45 : i32 to vector<1024x20xi32>
      %add3A_47 = arith.addi %iota3A_44, %add3A_46 : vector<1024x20xi32>
      %swap3A_48 = arith.constant 0 : index
      %swap3A_49 = arith.constant 0 : index
      %swap3A_50 = vector.load %arg8[%swap3A_48, %swap3A_49] : memref<1024x20xi32, #tpu.memory_space<vmem>>, vector<1024x20xi32>
      tpu.vector_store %arg8[%swap3A_48, %swap3A_49], %add3A_47 {strides = array<i32>} : memref<1024x20xi32, #tpu.memory_space<vmem>>, vector<1024x20xi32>,
    } else {
    }
    %get3A = arith.constant 0 : index
    %get3A_2 = arith.constant 0 : index
    %get3A_3 = vector.load %arg2[%get3A, %get3A_2] : memref<1024x32xf32, #tpu.memory_space<vmem>>, vector<1024x32xf32>
    %get3A_4 = arith.constant 0 : index
    %get3A_5 = arith.constant 0 : index
    %get3A_6 = vector.load %arg3[%get3A_4, %get3A_5] : memref<32x2048xf32, #tpu.memory_space<vmem>>, vector<32x2048xf32>
    %dot_general3A = arith.constant dense<0.000000e+00> : vector<1024x2048xf32>
    %dot_general3A_7 = tpu.matmul %get3A_3, %get3A_6, %dot_general3A {dimension_numbers = #tpu.dot_dimension_numbers<[1], [0], [0], [1], [0, 0, 1, 1], [], []>, transpose_lhs_hint = false} : vector<1024x32xf32>, vector<32x2048xf32>, vector<1024x2048xf32> -> vector<1024x2048xf32>
    %mul3A = arith.mulf %get3A_3, %get3A_3 : vector<1024x32xf32>
    %reduce_sum3A = arith.constant dense<0.000000e+00> : vector<1024xf32>
    %reduce_sum3A_8 = vector.multi_reduction <add>, %mul3A, %reduce_sum3A [1] : vector<1024x32xf32> to vector<1024xf32>
    %broadcast_in_dim3A = vector.shape_cast %reduce_sum3A_8 : vector<1024xf32> to vector<1024x1xf32>
    %mul3A_9 = arith.constant 2.000000e+00 : f32
    %mul3A_10 = vector.broadcast %mul3A_9 : f32 to vector<1024x2048xf32>
    %mul3A_11 = arith.mulf %mul3A_10, %dot_general3A_7 : vector<1024x2048xf32>
    %sub3A = vector.broadcast %broadcast_in_dim3A : vector<1024x1xf32> to vector<1024x2048xf32>
    %sub3A_12 = arith.subf %mul3A_11, %sub3A : vector<1024x2048xf32>
    %get3A_13 = arith.constant 0 : index
    %get3A_14 = arith.constant 0 : index
    %get3A_15 = vector.load %arg4[%get3A_13, %get3A_14] : memref<1x2048xf32, #tpu.memory_space<vmem>>, vector<1x2048xf32>
    %sub3A_16 = vector.broadcast %get3A_15 : vector<1x2048xf32> to vector<1024x2048xf32>
    %sub3A_17 = arith.subf %sub3A_12, %sub3A_16 : vector<1024x2048xf32>
    %mul3A_18 = arith.constant 2048 : i32
    %mul3A_19 = arith.muli %arg1, %mul3A_18 : i32
    %iota3A = tpu.iota {dimensions = array<i32: 1>} : vector<1x2048xi32>
    %add3A = vector.broadcast %mul3A_19 : i32 to vector<1x2048xi32>
    %add3A_20 = arith.addi %add3A, %iota3A : vector<1x2048xi32>
    %lt3A = arith.constant 100000 : i32
    %lt3A_21 = vector.broadcast %lt3A : i32 to vector<1x2048xi32>
    %lt3A_22 = arith.cmpi slt, %add3A_20, %lt3A_21 : vector<1x2048xi32>
    %jit3A = arith.constant -3.000000e+38 : f32
    %broadcast_in_dim3A_23 = vector.shape_cast %lt3A_22 : vector<1x2048xi1> to vector<1x2048xi1>
    %broadcast_in_dim3A_24 = vector.broadcast %broadcast_in_dim3A_23 : vector<1x2048xi1> to vector<1024x2048xi1>
    %broadcast_in_dim3A_25 = vector.broadcast %jit3A : f32 to vector<1024x2048xf32>
    %select_n3A = arith.select %broadcast_in_dim3A_24, %sub3A_17, %broadcast_in_dim3A_25 : vector<1024x2048xi1>, vector<1024x2048xf32>
    %swap3A = arith.constant 0 : index
    %swap3A_26 = arith.constant 0 : index
    %swap3A_27 = vector.load %arg9[%swap3A, %swap3A_26] : memref<1024x2048xf32, #tpu.memory_space<vmem>>, vector<1024x2048xf32>
    tpu.vector_store %arg9[%swap3A, %swap3A_26], %select_n3A {strides = array<i32>} : memref<1024x2048xf32, #tpu.memory_space<vmem>>, vector<1024x2048xf32>,
    %iota3A_28 = tpu.iota {dimensions = array<i32: 1>} : vector<1024x20xi32>
    %reduce_max3A = arith.constant dense<0xFF800000> : vector<1024xf32>
    %reduce_max3A_29 = vector.multi_reduction <maximumf>, %select_n3A, %reduce_max3A [1] : vector<1024x2048xf32> to vector<1024xf32>
    %broadcast_in_dim3A_30 = vector.shape_cast %reduce_max3A_29 : vector<1024xf32> to vector<1024x1xf32>
    %get3A_31 = arith.constant 0 : index
    %get3A_32 = arith.constant 19 : index
    %get3A_33 = vector.load %arg7[%get3A_31, %get3A_32] : memref<1024x20xf32, #tpu.memory_space<vmem>>, vector<1024x1xf32>
    %while3A:2 = scf.while (%while3A_39 = %broadcast_in_dim3A_30, %while3A_40 = %get3A_33) : (vector<1024x1xf32>, vector<1024x1xf32>) -> (vector<1024x1xf32>, vector<1024x1xf32>) {
      %gt3A = arith.cmpf ogt, %while3A_39, %while3A_40 : vector<1024x1xf32>
      %reduce_or3A = arith.constant 1.000000e+00 : f32
      %reduce_or3A_41 = arith.constant 0.000000e+00 : f32
      %reduce_or3A_42 = vector.broadcast %reduce_or3A : f32 to vector<1024x1xf32>
      %reduce_or3A_43 = vector.broadcast %reduce_or3A_41 : f32 to vector<1024x1xf32>
      %reduce_or3A_44 = arith.select %gt3A, %reduce_or3A_42, %reduce_or3A_43 : vector<1024x1xi1>, vector<1024x1xf32>
      %reduce_or3A_45 = vector.shape_cast %reduce_or3A_44 : vector<1024x1xf32> to vector<1x1024x1xf32>
      %reduce_or3A_46 = arith.constant dense<0xFF800000> : vector<1xf32>
      %reduce_or3A_47 = vector.multi_reduction <maximumf>, %reduce_or3A_45, %reduce_or3A_46 [1, 2] : vector<1x1024x1xf32> to vector<1xf32>
      %reduce_or3A_48 = vector.shape_cast %reduce_or3A_47 : vector<1xf32> to vector<1x1x1xf32>
      %reduce_or3A_49 = vector.extract %reduce_or3A_48[0, 0, 0] : f32 from vector<1x1x1xf32>
      %reduce_or3A_50 = arith.constant 0.000000e+00 : f32
      %reduce_or3A_51 = arith.cmpf ogt, %reduce_or3A_49, %reduce_or3A_50 : f32
      scf.condition(%reduce_or3A_51) %while3A_39, %while3A_40 : vector<1024x1xf32>, vector<1024x1xf32>
    } do {
    ^bb0(%while3A_39: vector<1024x1xf32>, %while3A_40: vector<1024x1xf32>):
      %get3A_41 = arith.constant 0 : index
      %get3A_42 = arith.constant 0 : index
      %get3A_43 = vector.load %arg9[%get3A_41, %get3A_42] : memref<1024x2048xf32, #tpu.memory_space<vmem>>, vector<1024x2048xf32>
      %eq3A_44 = vector.broadcast %while3A_39 : vector<1024x1xf32> to vector<1024x2048xf32>
      %eq3A_45 = arith.cmpf oeq, %get3A_43, %eq3A_44 : vector<1024x2048xf32>
      %jit3A_46 = arith.constant 2147483647 : i32
      %broadcast_in_dim3A_47 = vector.shape_cast %add3A_20 : vector<1x2048xi32> to vector<1x2048xi32>
      %broadcast_in_dim3A_48 = vector.broadcast %broadcast_in_dim3A_47 : vector<1x2048xi32> to vector<1024x2048xi32>
      %broadcast_in_dim3A_49 = vector.broadcast %jit3A_46 : i32 to vector<1024x2048xi32>
      %select_n3A_50 = arith.select %eq3A_45, %broadcast_in_dim3A_48, %broadcast_in_dim3A_49 : vector<1024x2048xi1>, vector<1024x2048xi32>
      %reduce_min3A = arith.constant dense<2147483647> : vector<1024xi32>
      %reduce_min3A_51 = vector.multi_reduction <minsi>, %select_n3A_50, %reduce_min3A [1] : vector<1024x2048xi32> to vector<1024xi32>
      %broadcast_in_dim3A_52 = vector.shape_cast %reduce_min3A_51 : vector<1024xi32> to vector<1024x1xi32>
      %get3A_53 = arith.constant 0 : index
      %get3A_54 = arith.constant 0 : index
      %get3A_55 = vector.load %arg7[%get3A_53, %get3A_54] : memref<1024x20xf32, #tpu.memory_space<vmem>>, vector<1024x20xf32>
      %get3A_56 = arith.constant 0 : index
      %get3A_57 = arith.constant 0 : index
      %get3A_58 = vector.load %arg8[%get3A_56, %get3A_57] : memref<1024x20xi32, #tpu.memory_space<vmem>>, vector<1024x20xi32>
      %gt3A = arith.cmpf ogt, %while3A_39, %while3A_40 : vector<1024x1xf32>
      %ge3A = vector.broadcast %while3A_39 : vector<1024x1xf32> to vector<1024x20xf32>
      %ge3A_59 = arith.cmpf oge, %get3A_55, %ge3A : vector<1024x20xf32>
      %convert_element_type3A_60 = arith.extui %ge3A_59 : vector<1024x20xi1> to vector<1024x20xi32>
      %reduce_sum3A_61 = arith.constant dense<0> : vector<1024xi32>
      %reduce_sum3A_62 = vector.multi_reduction <add>, %convert_element_type3A_60, %reduce_sum3A_61 [1] : vector<1024x20xi32> to vector<1024xi32>
      %broadcast_in_dim3A_63 = vector.shape_cast %reduce_sum3A_62 : vector<1024xi32> to vector<1024x1xi32>
      %jit3A_64 = arith.constant 20 : i32
      %broadcast_in_dim3A_65 = vector.broadcast %jit3A_64 : i32 to vector<1024x1xi32>
      %select_n3A_66 = arith.select %gt3A, %broadcast_in_dim3A_63, %broadcast_in_dim3A_65 : vector<1024x1xi1>, vector<1024x1xi32>
      %slice3A = vector.extract_strided_slice %get3A_55 {offsets = [0, 0], sizes = [1024, 1], strides = [1, 1]} : vector<1024x20xf32> to vector<1024x1xf32>
      %slice3A_67 = vector.extract_strided_slice %get3A_55 {offsets = [0, 0], sizes = [1024, 19], strides = [1, 1]} : vector<1024x20xf32> to vector<1024x19xf32>
      %concatenate3A = tpu.concatenate %slice3A, %slice3A_67 in 1 : vector<1024x1xf32>, vector<1024x19xf32> -> vector<1024x20xf32>
      %slice3A_68 = vector.extract_strided_slice %get3A_58 {offsets = [0, 0], sizes = [1024, 1], strides = [1, 1]} : vector<1024x20xi32> to vector<1024x1xi32>
      %slice3A_69 = vector.extract_strided_slice %get3A_58 {offsets = [0, 0], sizes = [1024, 19], strides = [1, 1]} : vector<1024x20xi32> to vector<1024x19xi32>
      %concatenate3A_70 = tpu.concatenate %slice3A_68, %slice3A_69 in 1 : vector<1024x1xi32>, vector<1024x19xi32> -> vector<1024x20xi32>
      %lt3A_71 = vector.broadcast %select_n3A_66 : vector<1024x1xi32> to vector<1024x20xi32>
      %lt3A_72 = arith.cmpi slt, %iota3A_28, %lt3A_71 : vector<1024x20xi32>
      %eq3A_73 = vector.broadcast %select_n3A_66 : vector<1024x1xi32> to vector<1024x20xi32>
      %eq3A_74 = arith.cmpi eq, %iota3A_28, %eq3A_73 : vector<1024x20xi32>
      %broadcast_in_dim3A_75 = vector.shape_cast %while3A_39 : vector<1024x1xf32> to vector<1024x1xf32>
      %broadcast_in_dim3A_76 = vector.broadcast %broadcast_in_dim3A_75 : vector<1024x1xf32> to vector<1024x20xf32>
      %select_n3A_77 = arith.select %eq3A_74, %broadcast_in_dim3A_76, %concatenate3A : vector<1024x20xi1>, vector<1024x20xf32>
      %select_n3A_78 = arith.select %lt3A_72, %get3A_55, %select_n3A_77 : vector<1024x20xi1>, vector<1024x20xf32>
      %lt3A_79 = vector.broadcast %select_n3A_66 : vector<1024x1xi32> to vector<1024x20xi32>
      %lt3A_80 = arith.cmpi slt, %iota3A_28, %lt3A_79 : vector<1024x20xi32>
      %eq3A_81 = vector.broadcast %select_n3A_66 : vector<1024x1xi32> to vector<1024x20xi32>
      %eq3A_82 = arith.cmpi eq, %iota3A_28, %eq3A_81 : vector<1024x20xi32>
      %broadcast_in_dim3A_83 = vector.shape_cast %broadcast_in_dim3A_52 : vector<1024x1xi32> to vector<1024x1xi32>
      %broadcast_in_dim3A_84 = vector.broadcast %broadcast_in_dim3A_83 : vector<1024x1xi32> to vector<1024x20xi32>
      %select_n3A_85 = arith.select %eq3A_82, %broadcast_in_dim3A_84, %concatenate3A_70 : vector<1024x20xi1>, vector<1024x20xi32>
      %select_n3A_86 = arith.select %lt3A_80, %get3A_58, %select_n3A_85 : vector<1024x20xi1>, vector<1024x20xi32>
      %swap3A_87 = arith.constant 0 : index
      %swap3A_88 = arith.constant 0 : index
      %swap3A_89 = vector.load %arg7[%swap3A_87, %swap3A_88] : memref<1024x20xf32, #tpu.memory_space<vmem>>, vector<1024x20xf32>
      tpu.vector_store %arg7[%swap3A_87, %swap3A_88], %select_n3A_78 {strides = array<i32>} : memref<1024x20xf32, #tpu.memory_space<vmem>>, vector<1024x20xf32>,
      %swap3A_90 = arith.constant 0 : index
      %swap3A_91 = arith.constant 0 : index
      %swap3A_92 = vector.load %arg8[%swap3A_90, %swap3A_91] : memref<1024x20xi32, #tpu.memory_space<vmem>>, vector<1024x20xi32>
      tpu.vector_store %arg8[%swap3A_90, %swap3A_91], %select_n3A_86 {strides = array<i32>} : memref<1024x20xi32, #tpu.memory_space<vmem>>, vector<1024x20xi32>,
      %eq3A_93 = vector.broadcast %add3A_20 : vector<1x2048xi32> to vector<1024x2048xi32>
      %eq3A_94 = vector.broadcast %broadcast_in_dim3A_52 : vector<1024x1xi32> to vector<1024x2048xi32>
      %eq3A_95 = arith.cmpi eq, %eq3A_93, %eq3A_94 : vector<1024x2048xi32>
      %jit3A_96 = arith.constant -3.000000e+38 : f32
      %broadcast_in_dim3A_97 = vector.broadcast %jit3A_96 : f32 to vector<1024x2048xf32>
      %select_n3A_98 = arith.select %eq3A_95, %broadcast_in_dim3A_97, %get3A_43 : vector<1024x2048xi1>, vector<1024x2048xf32>
      %swap3A_99 = arith.constant 0 : index
      %swap3A_100 = arith.constant 0 : index
      %swap3A_101 = vector.load %arg9[%swap3A_99, %swap3A_100] : memref<1024x2048xf32, #tpu.memory_space<vmem>>, vector<1024x2048xf32>
      tpu.vector_store %arg9[%swap3A_99, %swap3A_100], %select_n3A_98 {strides = array<i32>} : memref<1024x2048xf32, #tpu.memory_space<vmem>>, vector<1024x2048xf32>,
      %reduce_max3A_102 = arith.constant dense<0xFF800000> : vector<1024xf32>
      %reduce_max3A_103 = vector.multi_reduction <maximumf>, %select_n3A_98, %reduce_max3A_102 [1] : vector<1024x2048xf32> to vector<1024xf32>
      %broadcast_in_dim3A_104 = vector.shape_cast %reduce_max3A_103 : vector<1024xf32> to vector<1024x1xf32>
      %slice3A_105 = vector.extract_strided_slice %select_n3A_78 {offsets = [0, 19], sizes = [1024, 1], strides = [1, 1]} : vector<1024x20xf32> to vector<1024x1xf32>
      scf.yield %broadcast_in_dim3A_104, %slice3A_105 : vector<1024x1xf32>, vector<1024x1xf32>
    }
    %eq3A_34 = arith.constant 48 : i32
    %eq3A_35 = arith.cmpi eq, %arg1, %eq3A_34 : i32
    %convert_element_type3A_36 = arith.extui %eq3A_35 : i1 to i32
    %cond3A_37 = arith.constant 0 : i32
    %cond3A_38 = arith.cmpi ne, %convert_element_type3A_36, %cond3A_37 : i32
    scf.if %cond3A_38 {
      %get3A_39 = arith.constant 0 : index
      %get3A_40 = arith.constant 0 : index
      %get3A_41 = vector.load %arg7[%get3A_39, %get3A_40] : memref<1024x20xf32, #tpu.memory_space<vmem>>, vector<1024x20xf32>
      %swap3A_42 = arith.constant 0 : index
      %swap3A_43 = arith.constant 0 : index
      %swap3A_44 = vector.load %arg5[%swap3A_42, %swap3A_43] : memref<1024x20xf32, #tpu.memory_space<vmem>>, vector<1024x20xf32>
      tpu.vector_store %arg5[%swap3A_42, %swap3A_43], %get3A_41 {strides = array<i32>} : memref<1024x20xf32, #tpu.memory_space<vmem>>, vector<1024x20xf32>,
      %get3A_45 = arith.constant 0 : index
      %get3A_46 = arith.constant 0 : index
      %get3A_47 = vector.load %arg8[%get3A_45, %get3A_46] : memref<1024x20xi32, #tpu.memory_space<vmem>>, vector<1024x20xi32>
      %swap3A_48 = arith.constant 0 : index
      %swap3A_49 = arith.constant 0 : index
      %swap3A_50 = vector.load %arg6[%swap3A_48, %swap3A_49] : memref<1024x20xi32, #tpu.memory_space<vmem>>, vector<1024x20xi32>
      tpu.vector_store %arg6[%swap3A_48, %swap3A_49], %get3A_47 {strides = array<i32>} : memref<1024x20xi32, #tpu.memory_space<vmem>>, vector<1024x20xi32>,
    } else {
    }
    return
  }
  func.func @transform_0(%arg0: i32, %arg1: i32) -> (i32, i32) {
    %c0_i32 = arith.constant 0 : i32
    %c0_i32_0 = arith.constant 0 : i32
    return %arg0, %c0_i32 : i32, i32
  }
  func.func @transform_1(%arg0: i32, %arg1: i32) -> (i32, i32) {
    %c0_i32 = arith.constant 0 : i32
    %c0_i32_0 = arith.constant 0 : i32
    return %c0_i32, %arg1 : i32, i32
  }
  func.func @transform_2(%arg0: i32, %arg1: i32) -> (i32, i32) {
    %c0_i32 = arith.constant 0 : i32
    %c0_i32_0 = arith.constant 0 : i32
    return %c0_i32, %arg1 : i32, i32
  }
  func.func @transform_3(%arg0: i32, %arg1: i32) -> (i32, i32) {
    %c0_i32 = arith.constant 0 : i32
    %c0_i32_0 = arith.constant 0 : i32
    return %arg0, %c0_i32 : i32, i32
  }
  func.func @transform_4(%arg0: i32, %arg1: i32) -> (i32, i32) {
    %c0_i32 = arith.constant 0 : i32
    %c0_i32_0 = arith.constant 0 : i32
    return %arg0, %c0_i32 : i32, i32
  }
}

</mosaic_0001>

<sc_bundles>
// kernel: kernel.6.cloned.1.call-start
scs
__scs_entry_jumppad:
0x0: {  	(pc) =	sbr.rel $0x88, $3  }
0x1: {  	(tag) =	ssettag $0x0;
	lr =	simm.s32 $0x1  }
0x2: {  	[smem:$0x3F9B] =	sst lr;
	_ =	strace $0xD0000000  }
0x3: {  	_ = 	snop  }
0x4: {  	_ = 	snop  }
0x5: {  	_ = 	snop  }
0x6: {  	_ = 	snop  }
0x7: {  	_ = 	snop  }
__scs_overlays_trampoline_lowered:
0x8: {  	[smem:$0x3FAA] =	sst s0  }
0x9: {  	[smem:$0x3FAB] =	sst s1  }
0xa: {  	[smem:$0x3FAC] =	sst s2  }
0xb: {  	[smem:$0x3FAD] =	sst s3  }
0xc: {  	[smem:$0x3FAE] =	sst s4  }
0xd: {  	[smem:$0x3FAF] =	sst s5  }
0xe: {  	[smem:$0x3FB0] =	sst s6  }
0xf: {  	[smem:$0x3FB1] =	sst s7  }
0x10: {  	[smem:$0x3FB2] =	sst s8  }
0x11: {  	[smem:$0x3FB3] =	sst s9;
	s0 =	simm.s32 @!p0 $0x0  }
0x12: {  	s1 =	sld [smem:$0x3F99];
	s0 =	simm.s32 @p0 $0x1  }
0x13: {  	[smem:$0x3FB4] =	sst s0;
	s0 =	simm.s32 @!p1 $0x0  }
0x14: {  	s2 =	sld [smem:$0x3F98];
	s0 =	simm.s32 @p1 $0x1  }
0x15: {  	[smem:$0x3FB5] =	sst s0;
	s0 =	simm.s32 @!p2 $0x0  }
0x16: {  	s3 =	sld [smem:$0x3FDB];
	s0 =	simm.s32 @p2 $0x1  }
0x17: {  	s4 =	simm.s32 $0x1BF5;
	[smem:$0x3FB7] =	sst s0  }
0x18: {  	s0 =	sld [smem:$0x3F9A];
	_ =	swait.ge [sflag:s4], $0x0  }
0x19: {  	s7 =	sld [smem:$0x3F9B]  }
0x1a: {  	s8 =	sadd.s32 $0xFFFFE003, lr  }
0x1b: {  	s9 =	sadd.s32 $0xFFFFFEF7, lr;
	s5 =	simm.s32 $0xFFFFFFFF;
	p2 =	slt.u32 s8, $0xFFFFF086  }
0x1c: {  	p1 =	slt.u32 s9, $0xF7A;
	s5 =	simm.s32 @!p2 $0x0  }
0x1d: {  	s5 =	simm.s32 @p1 $0x1;
	p0 =	seq.s32 s7, s2  }
0x1e: {  	s7 =	smul.u32 @!p0 $0xF7A, s2;
	p2 =	seq.s32 @!p0 s5, $0x0  }
0x1f: {  	s9 =	smul.u32 $0xF7A, s1;
	s8 =	simm.s32 @!p0 $0x1BF5;
	p2 =	por !p2, p0  }
0x20: {  	[sflag:s8] =	ssyncset.s32 @!p0 $0xFFFFF086;
	s6 =	sadd.s32 @!p0 s3, s7;
	s7 =	simm.s32 @!p0 $0x108  }
0x21: {  	s3 =	sadd.s32 s3, s9;
	s6 =	sadd.s32 @!p0 $0x88, s6;
	s7 =	simm.s32 @p2 $0x1082  }
0x22: {  	[simem:s7], [sflag:s8] =	dma.local @!p0 [hbm:s6], $0xF7A  }
0x23: {  	s9 =	sor.u32 $0xD0000000, s2;
	s6 =	simm.s32 $0x108;
	_ =	swait.ge @!p0 [sflag:s8], $0x0  }
0x24: {  	s3 =	sadd.s32 $0x88, s3;
	s6 =	simm.s32 @!p1 $0x1082;
	[sflag:s4] =	ssyncset.s32 $0xFFFFF086  }
0x25: {  	[simem:s6], [sflag:s4] =	dma.local [hbm:s3], $0xF7A  }
0x26: {  	[smem:$0x3F9B] =	sst s1;
	(tag) =	ssettag s2;
	_ =	strace s9  }
0x27: {  	s1 =	sld [smem:$0x3FAB]  }
0x28: {  	s2 =	sld [smem:$0x3FAC]  }
0x29: {  	s4 =	sld [smem:$0x3FAE]  }
0x2a: {  	p0 =	seq.s32 s5, $0x0;
	s5 =	sld [smem:$0x3FAF]  }
0x2b: {  	s6 =	sld [smem:$0x3FB0]  }
0x2c: {  	s7 =	sld [smem:$0x3FB1]  }
0x2d: {  	s3 =	simm.s32 $0x108;
	s8 =	sld [smem:$0x3FB2]  }
0x2e: {  	s3 =	simm.s32 @!p0 $0x1082;
	s9 =	sld [smem:$0x3FB3]  }
0x2f: {  	lr =	sadd.s32 s0, s3;
	s0 =	sld [smem:$0x3FAA]  }
0x30: {  	s3 =	sld [smem:$0x3FAD]  }
0x31: {  	[smem:$0x3FB6] =	sst s10  }
0x32: {  	s10 =	sld [smem:$0x3FB4];
	_ =	sdelay $0x3  }
0x33: {  	p0 =	seq.s32 s10, $0x1;
	s10 =	sld [smem:$0x3FB6];
	_ =	sdelay $0x3  }
0x34: {  	[smem:$0x3FB6] =	sst s10  }
0x35: {  	s10 =	sld [smem:$0x3FB5];
	_ =	sdelay $0x3  }
0x36: {  	p1 =	seq.s32 s10, $0x1;
	s10 =	sld [smem:$0x3FB6];
	_ =	sdelay $0x3  }
0x37: {  	[smem:$0x3FB6] =	sst s10  }
0x38: {  	s10 =	sld [smem:$0x3FB7]  }
0x39: {  	_ = 	snop;
	(pc) =	sbr.ind lr, $3  }
0x3a: {  	_ = 	snop  }
0x3b: {  	_ = 	snop  }
0x3c: {  	p2 =	seq.s32 s10, $0x1;
	s10 =	sld [smem:$0x3FB6]  }
0x3d: {  	_ =	shalt  }
0x3e: {  	_ =	shalt  }
0x3f: {  	_ =	shalt  }
0x40: {  	_ =	shalt  }
0x41: {  	_ =	shalt  }
0x42: {  	_ =	shalt  }
0x43: {  	_ =	shalt  }
0x44: {  	_ =	shalt  }
0x45: {  	_ =	shalt  }
0x46: {  	_ =	shalt  }
0x47: {  	_ =	shalt  }
0x48: {  	_ =	shalt  }
0x49: {  	_ =	shalt  }
0x4a: {  	_ =	shalt  }
0x4b: {  	_ =	shalt  }
0x4c: {  	_ =	shalt  }
0x4d: {  	_ =	shalt  }
0x4e: {  	_ =	shalt  }
0x4f: {  	_ =	shalt  }
0x50: {  	_ =	shalt  }
0x51: {  	_ =	shalt  }
0x52: {  	_ =	shalt  }
0x53: {  	_ =	shalt  }
0x54: {  	_ =	shalt  }
0x55: {  	_ =	shalt  }
0x56: {  	_ =	shalt  }
0x57: {  	_ =	shalt  }
0x58: {  	_ =	shalt  }
0x59: {  	_ =	shalt  }
0x5a: {  	_ =	shalt  }
0x5b: {  	_ =	shalt  }
0x5c: {  	_ =	shalt  }
0x5d: {  	_ =	shalt  }
0x5e: {  	_ =	shalt  }
0x5f: {  	_ =	shalt  }
0x60: {  	_ =	shalt  }
0x61: {  	_ =	shalt  }
0x62: {  	_ =	shalt  }
0x63: {  	_ =	shalt  }
0x64: {  	_ =	shalt  }
0x65: {  	_ =	shalt  }
0x66: {  	_ =	shalt  }
0x67: {  	_ =	shalt  }
0x68: {  	_ =	shalt  }
0x69: {  	_ =	shalt  }
0x6a: {  	_ =	shalt  }
0x6b: {  	_ =	shalt  }
0x6c: {  	_ =	shalt  }
0x6d: {  	_ =	shalt  }
0x6e: {  	_ =	shalt  }
0x6f: {  	_ =	shalt  }
0x70: {  	_ =	shalt  }
0x71: {  	_ =	shalt  }
0x72: {  	_ =	shalt  }
0x73: {  	_ =	shalt  }
0x74: {  	_ =	shalt  }
0x75: {  	_ =	shalt  }
0x76: {  	_ =	shalt  }
0x77: {  	_ =	shalt  }
0x78: {  	_ =	shalt  }
0x79: {  	_ =	shalt  }
0x7a: {  	_ =	shalt  }
0x7b: {  	_ =	shalt  }
0x7c: {  	_ =	shalt  }
0x7d: {  	_ =	shalt  }
0x7e: {  	_ =	shalt  }
0x7f: {  	_ =	shalt  }
0x80: {  	_ =	shalt  }
0x81: {  	_ =	shalt  }
0x82: {  	_ =	shalt  }
0x83: {  	_ =	shalt  }
0x84: {  	_ =	shalt  }
0x85: {  	_ =	shalt  }
0x86: {  	_ =	shalt  }
0x87: {  	_ =	shalt  }
.Lfunc_end0:
.L_simem_size_0:
called_computation_lowered:
.L_overlay_start_0:
0x88: {  	s2 =	sld [smem:$0x3FD9]  }
0x89: {  	s3 =	sld [smem:$0x3FFE];
	_ =	sdelay $0x1  }
0x8a: {  	s1 =	srdreg.scid  }
0x8b: {  	s0 =	sand.u32 $0x1, s1  }
0x8c: {  	s14 =	sshll.u32 s0, $0xA;
	s2 =	sadd.s32 s3, s2  }
0x8d: {  	s2 =	sadd.s32 s2, s14  }
0x8e: {  	[smem:$0x3FC2] =	sst s2  }
0x8f: {  	_ = 	snop  }
0x90: {  	s2 =	sld [smem:$0x3FD0];
	_ =	sdelay $0x2  }
0x91: {  	s15 =	simm.s32 $0xB;
	s4 =	simm.s32 $0x10  }
0x92: {  	[smem:s4], [sflag:s15] =	dma.local [hbm:s2], $0x1  }
0x93: {  	_ =	swait.eq [sflag:s15], $0x1  }
0x94: {  	[sflag:s15] =	ssyncset.done $0x0  }
0x95: {  	[sflag:s15] =	ssyncadd.s32 $0xFFFFFFFF  }
0x96: {  	s16 =	sld [smem:$0x15];
	(tm) =	ssettm $0x1  }
0x97: {  	s17 =	sld [smem:$0x3FFB];
	_ =	sdelay $0x3  }
0x98: {  	_ =	strace s17  }
0x99: {  	s3 =	sld [smem:$0x3FFC];
	_ =	sdelay $0x3  }
0x9a: {  	_ =	strace s3  }
0x9b: {  	s3 =	sld [smem:$0x3FFD];
	_ =	sdelay $0x3  }
0x9c: {  	_ =	strace s3  }
0x9d: {  	_ =	strace $0x8FFFFFFF  }
0x9e: {  	s18 =	sld [smem:$0x3FDB];
	_ =	sdelay $0x1  }
0x9f: {  	s19 =	simm.s32 $_scs_section_size  }
0xa0: {  	s5 =	simm.s32 $_size__tile_overlayer_lowered;
	s6 =	simm.s32 $_tile_overlayer_lowered  }
0xa1: {  	s22 =	simm.s32 $0x1BFF;
	s21 =	sshll.u32 s6, $0x1;
	s3 =	sadd.s32 s19, s18  }
0xa2: {  	s7 =	simm.s32 $0x0;
	s20 =	sshll.u32 s5, $0x1;
	s5 =	sadd.s32 s21, s3  }
0xa3: {  	[timem:s7], [sflag:s22] =	dma.local [hbm:s5], s20  }
0xa4: {  	_ =	swait.ge [sflag:s22], s20  }
0xa5: {  	s4 =	ssub.s32 $0x0, s20;
	[sflag:s22] =	ssyncset.done $0x0  }
0xa6: {  	[sflag:s22] =	ssyncadd.s32 s4;
	_ =	sdelay $0x1  }
0xa7: {  	s23 =	simm.s32 $0x1B8B  }
0xa8: {  	_ =	swait.ge [sflag:s23], $0x1  }
0xa9: {  	[sflag:s23] =	ssyncset.done $0x0  }
0xaa: {  	s25 =	simm.s32 $0x1B8E;
	s24 =	sld [smem:$0x3FFE];
	[sflag:s23] =	ssyncadd.s32 $0xFFFFFFFF  }
0xab: {  	s26 =	simm.s32 $execute0_lowered;
	[smem:$0x3FD2] =	sst s25  }
0xac: {  	s5 =	sshll.u32 s26, $0x1;
	_ =	strace $0x80000046;
	[dreg:$0x1] =	wrdreg $0xFFFFFFFF  }
0xad: {  	s28 =	simm.s32 $_size_execute0_lowered;
	s3 =	sadd.s32 s3, s5;
	[dreg:$0x0] =	wrdreg $0x0  }
0xae: {  	s5 =	sshll.u32 s28, $0x1;
	[dreg:$0x2] =	wrdreg s3  }
0xaf: {  	[dreg:$0x3] =	wrdreg s5  }
0xb0: {  	[dreg:$0x4] =	wrdreg $0xC0  }
0xb1: {  	_ =	task [dreg:s7], $0x5FFFF  }
0xb2: {  	[dreg:$0x1] =	wrdreg $0xFFFFFFFF  }
0xb3: {  	[dreg:$0x0] =	wrdreg $0x60  }
0xb4: {  	[dreg:$0x2] =	wrdreg s24  }
0xb5: {  	[dreg:$0x3] =	wrdreg s16  }
0xb6: {  	[dreg:$0x4] =	wrdreg $0x9  }
0xb7: {  	_ =	task.clear_ibuf [dreg:s7], $0x5FFFF;
	_ =	strace $0x90000046  }
0xb8: {  	s29 =	simm.s32 $0x9;
	_ =	strace $0x80000048  }
0xb9: {  	_ =	swait.ge [sflag:s29], $0x1  }
0xba: {  	[sflag:s29] =	ssyncadd.s32 $0xFFFFFFFF  }
0xbb: {  	_ =	strace $0x90000048  }
0xbc: {  	_ =	sfence  }
0xbd: {  	s30 =	sld [smem:$0x0];
	_ =	sdelay $0x2  }
0xbe: {  	s31 =	sshll.u32 s1, $0xD;
	s1 =	sshrl.u32 s1, $0x2  }
0xbf: {  	s3 =	sand.u32 $0x4000, s31;
	s1 =	sadd.s32 s1, s30  }
0xc0: {  	s0 =	sor.u32 s3, s0;
	s1 =	sshll.u32 s1, $0x11  }
0xc1: {  	s0 =	sor.u32 s1, s0  }
0xc2: {  	s0 =	sadd.s32 $0x8F2B, s0  }
0xc3: {  	[sflag:s0] =	ssyncadd.remote.s32 $0x1  }
0xc4: {  	_ =	sfence.sel $0xFFFF  }
0xc5: {  	[dreg:$0x0] =	wrdreg $0xFFFFFFFF;
	(pc) =	sbr.abs _section_cstart, $3  }
0xc6: {  	[dreg:$0x1] =	wrdreg $0xFFFFFFFF  }
0xc7: {  	_ =	task.clear_ibuf [dreg:s7], $0x2FFFF;
	_ =	strace $0x9FFFFFFF  }
0xc8: {  	(tm) =	ssettm $0x7FFFFFFF  }
0xc9: {  	_ =	shalt  }
tec
execute0_lowered:
.L_overlay_start_1:
0x0: {  	(tag) =	ssettag $0x1  }
0x1: {  	s1 =	srdreg.scid  }
0x2: {  	s0 =	stileid.u32;
	s8 =	rddreg [dreg:$0x0]  }
0x3: {  	s3 =	rddreg [dreg:$0x1];
	s6 =	sand.u32 $0x1, s1;
	s30 =	sshll.u32 s0, $0x1  }
0x4: {  	s2 =	simm.s32 $0x0;
	s1 =	rddreg [dreg:$0x2];
	s7 =	sor.u32 s6, s30  }
0x5: {  	[smem:$0x7FF] =	sst s2;
	s4 =	smul.u32 $0x50, s7  }
0x6: {  	s5 =	sadd.s32 $0x190C00, s8;
	_ =	strace $0x80000047;
	s10 =	ssub.s32 $0x2, s6  }
0x7: {  	s6 =	simm.s32 $0x280;
	s4 =	sadd.s32 s3, s4;
	s3 =	simm.s32 $0x2  }
0x8: {  	[tilespmem:s2], [sflag:$0x2] =	stream.linear.gather [hbm4b:s4+s2], $0x280, $0x38;
	[tilespmem:$0x14280] =	vst v63  }
0x9: {  	s9 =	smul.u32 $0x2800, s7;
	s11 =	sshrl.u32 s10, $0x1;
	_ =	swait.ge [sflag:s3], $0x280  }
0xa: {  	s7 =	simm.s32 $0x1;
	s31 =	ssub.s32 s10, s11;
	[sflag:s3] =	ssyncset.done $0x0  }
0xb: {  	s8 =	sadd.s32 s9, s8;
	s9 =	smax.u32 s31, $0x1;
	[sflag:s3] =	ssyncadd.s32 $0xFFFFFD80  }
0xc: {  	[tilespmem:s6], [sflag:$0x1] =	stream.indirect.gather [hbm4b:s5+s6], $0x80, s2, s6, $0xb8;
	[tilespmem:$0x14280] =	vst v63  }
0xd: {  	p0 =	sne.s32 s9, $0x1;
	_ =	swait.ge [sflag:s7], $0x14000  }
.Ltmp0:
0xe: {  	[sflag:s7] =	ssyncset.done $0x0;
	(pc) =	sbr.rel @!p0 .LBB2_2-.Ltmp0, $4  }
0xf: {  	s8 =	sadd.s32 $0xA200, s8;
	[sflag:s7] =	ssyncadd.s32 $0xFFFEC000  }
0x10: {  	[hbm4b:s8+s2] =	stream.linear.scatter [tilespmem:s6], [sflag:$0x2], $0x14000, $0x38;
	[tilespmem:$0x14280] =	vst v63  }
0x11: {  	_ =	swait.ge [sflag:s3], $0x14000  }
0x12: {  	s9 =	sadd.s32 $0xFFFFFFFF, s9;
	[sflag:s3] =	ssyncset.done $0x0  }
.LBB2_1:
0x13: {  	p0 =	sne.s32 s9, $0x1;
	s9 =	sadd.s32 $0xFFFFFFFF, s9;
	[sflag:s3] =	ssyncadd.s32 $0xFFFEC000  }
0x14: {  	[tilespmem:s2], [sflag:$0x2] =	stream.linear.gather [hbm4b:s4+s2], $0x280, $0x38;
	[tilespmem:$0x14280] =	vst v63  }
0x15: {  	_ =	swait.ge [sflag:s3], $0x280  }
0x16: {  	[sflag:s3] =	ssyncset.done $0x0  }
0x17: {  	[sflag:s3] =	ssyncadd.s32 $0xFFFFFD80  }
0x18: {  	[tilespmem:s6], [sflag:$0x1] =	stream.indirect.gather [hbm4b:s5+s6], $0x80, s2, s6, $0xb8;
	[tilespmem:$0x14280] =	vst v63  }
0x19: {  	_ =	swait.ge [sflag:s7], $0x14000  }
.Ltmp1:
0x1a: {  	[sflag:s7] =	ssyncset.done $0x0;
	(pc) =	sbr.rel @p0 .LBB2_1-.Ltmp1, $4  }
0x1b: {  	[sflag:s7] =	ssyncadd.s32 $0xFFFEC000  }
0x1c: {  	[hbm4b:s8+s2] =	stream.linear.scatter [tilespmem:s6], [sflag:$0x2], $0x14000, $0x38;
	[tilespmem:$0x14280] =	vst v63  }
0x1d: {  	_ =	swait.ge [sflag:s3], $0x14000  }
0x1e: {  	[sflag:s3] =	ssyncset.done $0x0  }
.LBB2_2:
0x1f: {  	[sflag:s3] =	ssyncadd.s32 $0xFFFEC000  }
0x20: {  	_ =	sfence.sel $0x180000  }
0x21: {  	[bflag:$0x0] =	sbarrier.arrive $0xFFFF  }
0x22: {  	p0 =	sne.s32 s0, $0x0;
	_ =	strace $0x90000047  }
0x23: {  	s0 =	sadd.s32 @!p0 $0x100000, s1;
	[bflag:$0x2] =	sbarrier.arrive $0xFFFF  }
0x24: {  	[sflag:s0] =	ssyncadd.tile.s32 @!p0 $0x1;
	_ =	shalt  }
.Lfunc_end2:
_tile_overlayer_lowered:
.L_overlay_start_2:
0x25: {  	(tag) =	ssettag $0x2  }
0x26: {  	s0 =	rddreg [dreg:$0x0];
	s2 =	stileid.u32  }
0x27: {  	s1 =	rddreg [dreg:$0x1];
	p0 =	sne.s32 s2, $0x0  }
0x28: {  	s3 =	rddreg [dreg:$0x2];
	[bflag:$0x3] =	sbarrier.arrive $0xFFFF;
	s2 =	simm.s32 @!p0 $0x1C02  }
0x29: {  	[timem:s3], [sflag:s2] =	dma.local @!p0 [hbm:s0], s1  }
0x2a: {  	s0 =	simm.s32 @!p0 $0x2  }
0x2b: {  	_ =	swait.ge @!p0 [sflag:s0], s1  }
0x2c: {  	s1 =	ssub.s32 @!p0 $0x0, s1;
	[sflag:s0] =	ssyncset.done @!p0 $0x0  }
0x2d: {  	[sflag:s0] =	ssyncadd.s32 @!p0 s1  }
0x2e: {  	[bflag:$0x3] =	sbarrier.arrive $0xFFFF  }
0x2f: {  	_ =	shalt  }

// kernel: kernel.9.cloned.1.call-start
scs
__scs_entry_jumppad:
0x0: {  	(pc) =	sbr.rel $0x88, $3  }
0x1: {  	(tag) =	ssettag $0x0;
	lr =	simm.s32 $0x1  }
0x2: {  	[smem:$0x3F9B] =	sst lr;
	_ =	strace $0xD0000000  }
0x3: {  	_ = 	snop  }
0x4: {  	_ = 	snop  }
0x5: {  	_ = 	snop  }
0x6: {  	_ = 	snop  }
0x7: {  	_ = 	snop  }
__scs_overlays_trampoline_lowered:
0x8: {  	[smem:$0x3FAA] =	sst s0  }
0x9: {  	[smem:$0x3FAB] =	sst s1  }
0xa: {  	[smem:$0x3FAC] =	sst s2  }
0xb: {  	[smem:$0x3FAD] =	sst s3  }
0xc: {  	[smem:$0x3FAE] =	sst s4  }
0xd: {  	[smem:$0x3FAF] =	sst s5  }
0xe: {  	[smem:$0x3FB0] =	sst s6  }
0xf: {  	[smem:$0x3FB1] =	sst s7  }
0x10: {  	[smem:$0x3FB2] =	sst s8  }
0x11: {  	[smem:$0x3FB3] =	sst s9;
	s0 =	simm.s32 @!p0 $0x0  }
0x12: {  	s1 =	sld [smem:$0x3F99];
	s0 =	simm.s32 @p0 $0x1  }
0x13: {  	[smem:$0x3FB4] =	sst s0;
	s0 =	simm.s32 @!p1 $0x0  }
0x14: {  	s2 =	sld [smem:$0x3F98];
	s0 =	simm.s32 @p1 $0x1  }
0x15: {  	[smem:$0x3FB5] =	sst s0;
	s0 =	simm.s32 @!p2 $0x0  }
0x16: {  	s3 =	sld [smem:$0x3FDB];
	s0 =	simm.s32 @p2 $0x1  }
0x17: {  	s4 =	simm.s32 $0x1BF5;
	[smem:$0x3FB7] =	sst s0  }
0x18: {  	s0 =	sld [smem:$0x3F9A];
	_ =	swait.ge [sflag:s4], $0x0  }
0x19: {  	s7 =	sld [smem:$0x3F9B]  }
0x1a: {  	s8 =	sadd.s32 $0xFFFFE003, lr  }
0x1b: {  	s9 =	sadd.s32 $0xFFFFFEF7, lr;
	s5 =	simm.s32 $0xFFFFFFFF;
	p2 =	slt.u32 s8, $0xFFFFF086  }
0x1c: {  	p1 =	slt.u32 s9, $0xF7A;
	s5 =	simm.s32 @!p2 $0x0  }
0x1d: {  	s5 =	simm.s32 @p1 $0x1;
	p0 =	seq.s32 s7, s2  }
0x1e: {  	s7 =	smul.u32 @!p0 $0xF7A, s2;
	p2 =	seq.s32 @!p0 s5, $0x0  }
0x1f: {  	s9 =	smul.u32 $0xF7A, s1;
	s8 =	simm.s32 @!p0 $0x1BF5;
	p2 =	por !p2, p0  }
0x20: {  	[sflag:s8] =	ssyncset.s32 @!p0 $0xFFFFF086;
	s6 =	sadd.s32 @!p0 s3, s7;
	s7 =	simm.s32 @!p0 $0x108  }
0x21: {  	s3 =	sadd.s32 s3, s9;
	s6 =	sadd.s32 @!p0 $0x88, s6;
	s7 =	simm.s32 @p2 $0x1082  }
0x22: {  	[simem:s7], [sflag:s8] =	dma.local @!p0 [hbm:s6], $0xF7A  }
0x23: {  	s9 =	sor.u32 $0xD0000000, s2;
	s6 =	simm.s32 $0x108;
	_ =	swait.ge @!p0 [sflag:s8], $0x0  }
0x24: {  	s3 =	sadd.s32 $0x88, s3;
	s6 =	simm.s32 @!p1 $0x1082;
	[sflag:s4] =	ssyncset.s32 $0xFFFFF086  }
0x25: {  	[simem:s6], [sflag:s4] =	dma.local [hbm:s3], $0xF7A  }
0x26: {  	[smem:$0x3F9B] =	sst s1;
	(tag) =	ssettag s2;
	_ =	strace s9  }
0x27: {  	s1 =	sld [smem:$0x3FAB]  }
0x28: {  	s2 =	sld [smem:$0x3FAC]  }
0x29: {  	s4 =	sld [smem:$0x3FAE]  }
0x2a: {  	p0 =	seq.s32 s5, $0x0;
	s5 =	sld [smem:$0x3FAF]  }
0x2b: {  	s6 =	sld [smem:$0x3FB0]  }
0x2c: {  	s7 =	sld [smem:$0x3FB1]  }
0x2d: {  	s3 =	simm.s32 $0x108;
	s8 =	sld [smem:$0x3FB2]  }
0x2e: {  	s3 =	simm.s32 @!p0 $0x1082;
	s9 =	sld [smem:$0x3FB3]  }
0x2f: {  	lr =	sadd.s32 s0, s3;
	s0 =	sld [smem:$0x3FAA]  }
0x30: {  	s3 =	sld [smem:$0x3FAD]  }
0x31: {  	[smem:$0x3FB6] =	sst s10  }
0x32: {  	s10 =	sld [smem:$0x3FB4];
	_ =	sdelay $0x3  }
0x33: {  	p0 =	seq.s32 s10, $0x1;
	s10 =	sld [smem:$0x3FB6];
	_ =	sdelay $0x3  }
0x34: {  	[smem:$0x3FB6] =	sst s10  }
0x35: {  	s10 =	sld [smem:$0x3FB5];
	_ =	sdelay $0x3  }
0x36: {  	p1 =	seq.s32 s10, $0x1;
	s10 =	sld [smem:$0x3FB6];
	_ =	sdelay $0x3  }
0x37: {  	[smem:$0x3FB6] =	sst s10  }
0x38: {  	s10 =	sld [smem:$0x3FB7]  }
0x39: {  	_ = 	snop;
	(pc) =	sbr.ind lr, $3  }
0x3a: {  	_ = 	snop  }
0x3b: {  	_ = 	snop  }
0x3c: {  	p2 =	seq.s32 s10, $0x1;
	s10 =	sld [smem:$0x3FB6]  }
0x3d: {  	_ =	shalt  }
0x3e: {  	_ =	shalt  }
0x3f: {  	_ =	shalt  }
0x40: {  	_ =	shalt  }
0x41: {  	_ =	shalt  }
0x42: {  	_ =	shalt  }
0x43: {  	_ =	shalt  }
0x44: {  	_ =	shalt  }
0x45: {  	_ =	shalt  }
0x46: {  	_ =	shalt  }
0x47: {  	_ =	shalt  }
0x48: {  	_ =	shalt  }
0x49: {  	_ =	shalt  }
0x4a: {  	_ =	shalt  }
0x4b: {  	_ =	shalt  }
0x4c: {  	_ =	shalt  }
0x4d: {  	_ =	shalt  }
0x4e: {  	_ =	shalt  }
0x4f: {  	_ =	shalt  }
0x50: {  	_ =	shalt  }
0x51: {  	_ =	shalt  }
0x52: {  	_ =	shalt  }
0x53: {  	_ =	shalt  }
0x54: {  	_ =	shalt  }
0x55: {  	_ =	shalt  }
0x56: {  	_ =	shalt  }
0x57: {  	_ =	shalt  }
0x58: {  	_ =	shalt  }
0x59: {  	_ =	shalt  }
0x5a: {  	_ =	shalt  }
0x5b: {  	_ =	shalt  }
0x5c: {  	_ =	shalt  }
0x5d: {  	_ =	shalt  }
0x5e: {  	_ =	shalt  }
0x5f: {  	_ =	shalt  }
0x60: {  	_ =	shalt  }
0x61: {  	_ =	shalt  }
0x62: {  	_ =	shalt  }
0x63: {  	_ =	shalt  }
0x64: {  	_ =	shalt  }
0x65: {  	_ =	shalt  }
0x66: {  	_ =	shalt  }
0x67: {  	_ =	shalt  }
0x68: {  	_ =	shalt  }
0x69: {  	_ =	shalt  }
0x6a: {  	_ =	shalt  }
0x6b: {  	_ =	shalt  }
0x6c: {  	_ =	shalt  }
0x6d: {  	_ =	shalt  }
0x6e: {  	_ =	shalt  }
0x6f: {  	_ =	shalt  }
0x70: {  	_ =	shalt  }
0x71: {  	_ =	shalt  }
0x72: {  	_ =	shalt  }
0x73: {  	_ =	shalt  }
0x74: {  	_ =	shalt  }
0x75: {  	_ =	shalt  }
0x76: {  	_ =	shalt  }
0x77: {  	_ =	shalt  }
0x78: {  	_ =	shalt  }
0x79: {  	_ =	shalt  }
0x7a: {  	_ =	shalt  }
0x7b: {  	_ =	shalt  }
0x7c: {  	_ =	shalt  }
0x7d: {  	_ =	shalt  }
0x7e: {  	_ =	shalt  }
0x7f: {  	_ =	shalt  }
0x80: {  	_ =	shalt  }
0x81: {  	_ =	shalt  }
0x82: {  	_ =	shalt  }
0x83: {  	_ =	shalt  }
0x84: {  	_ =	shalt  }
0x85: {  	_ =	shalt  }
0x86: {  	_ =	shalt  }
0x87: {  	_ =	shalt  }
.Lfunc_end0:
.L_simem_size_0:
called_computation.1_lowered:
.L_overlay_start_0:
0x88: {  	s2 =	sld [smem:$0x3FD9]  }
0x89: {  	s3 =	sld [smem:$0x3FFE];
	_ =	sdelay $0x1  }
0x8a: {  	s1 =	srdreg.scid  }
0x8b: {  	s0 =	sand.u32 $0x1, s1  }
0x8c: {  	s17 =	sshll.u32 s0, $0xA;
	s2 =	sadd.s32 s3, s2  }
0x8d: {  	s2 =	sadd.s32 s2, s17  }
0x8e: {  	[smem:$0x3FC2] =	sst s2  }
0x8f: {  	_ = 	snop  }
0x90: {  	(tm) =	ssettm $0x1  }
0x91: {  	s18 =	sld [smem:$0x3FFB];
	_ =	sdelay $0x3  }
0x92: {  	_ =	strace s18  }
0x93: {  	s2 =	sld [smem:$0x3FFC];
	_ =	sdelay $0x3  }
0x94: {  	_ =	strace s2  }
0x95: {  	s2 =	sld [smem:$0x3FFD];
	_ =	sdelay $0x3  }
0x96: {  	_ =	strace s2  }
0x97: {  	_ =	strace $0x8FFFFFFF  }
0x98: {  	s19 =	sld [smem:$0x3FDB];
	_ =	sdelay $0x1  }
0x99: {  	s20 =	simm.s32 $_scs_section_size  }
0x9a: {  	s4 =	simm.s32 $_size__tile_overlayer_lowered;
	s5 =	simm.s32 $_tile_overlayer_lowered  }
0x9b: {  	s6 =	simm.s32 $0x1BFF;
	s21 =	sshll.u32 s5, $0x1;
	s3 =	sadd.s32 s20, s19  }
0x9c: {  	s22 =	simm.s32 $0x0;
	s4 =	sshll.u32 s4, $0x1;
	s5 =	sadd.s32 s21, s3  }
0x9d: {  	[timem:s22], [sflag:s6] =	dma.local [hbm:s5], s4  }
0x9e: {  	_ =	swait.ge [sflag:s6], s4  }
0x9f: {  	s4 =	ssub.s32 $0x0, s4;
	[sflag:s6] =	ssyncset.done $0x0  }
0xa0: {  	[sflag:s6] =	ssyncadd.s32 s4;
	_ =	sdelay $0x1  }
0xa1: {  	s23 =	simm.s32 $0x1B8B  }
0xa2: {  	_ =	swait.ge [sflag:s23], $0x1  }
0xa3: {  	[sflag:s23] =	ssyncset.done $0x0  }
0xa4: {  	[sflag:s23] =	ssyncadd.s32 $0xFFFFFFFF  }
0xa5: {  	s4 =	sld [smem:$0x0]  }
0xa6: {  	s5 =	sand.u32 $0xFFFFFFFE, s1  }
0xa7: {  	p0 =	sne.s32 s1, s5  }
0xa8: {  	s5 =	sshll.u32 @p0 s5, $0xE  }
0xa9: {  	s5 =	sadd.s32 @p0 $0x11B8D, s5;
	s6 =	sshll.u32 @p0 s4, $0x11  }
0xaa: {  	s5 =	sor.u32 @p0 s6, s5  }
0xab: {  	[sflag:s5] =	ssyncadd.remote.s32 @p0 $0x1;
	_ =	sdelay $0x1  }
0xac: {  	s5 =	simm.s32 @p0 $0x1B8D  }
0xad: {  	_ =	swait.eq @p0 [sflag:s5], $0x1  }
0xae: {  	[sflag:s5] =	ssyncadd.s32 @p0 $0xFFFFFFFF  }
0xaf: {  	s6 =	sshll.u32 @!p0 s1, $0xE  }
0xb0: {  	s6 =	sor.u32 @!p0 $0x4000, s6;
	s5 =	simm.s32 @!p0 $0x1B8D  }
0xb1: {  	s4 =	sshll.u32 @!p0 s4, $0x11;
	s6 =	sadd.s32 @!p0 $0x11B8D, s6;
	_ =	swait.eq @!p0 [sflag:s5], $0x1  }
0xb2: {  	s4 =	sor.u32 @!p0 s4, s6;
	[sflag:s5] =	ssyncadd.s32 @!p0 $0xFFFFFFFF  }
0xb3: {  	s25 =	simm.s32 $0x1B8E;
	s24 =	sld [smem:$0x3FFE];
	[sflag:s4] =	ssyncadd.remote.s32 @!p0 $0x1  }
0xb4: {  	s26 =	simm.s32 $execute0_lowered;
	[smem:$0x3FD2] =	sst s25  }
0xb5: {  	s5 =	sshll.u32 s26, $0x1;
	_ =	strace $0x80000049;
	[dreg:$0x1] =	wrdreg $0xFFFFFFFF  }
0xb6: {  	s28 =	simm.s32 $_size_execute0_lowered;
	s3 =	sadd.s32 s3, s5;
	[dreg:$0x0] =	wrdreg $0x0  }
0xb7: {  	s5 =	sshll.u32 s28, $0x1;
	[dreg:$0x2] =	wrdreg s3  }
0xb8: {  	[dreg:$0x3] =	wrdreg s5  }
0xb9: {  	[dreg:$0x4] =	wrdreg $0xC0  }
0xba: {  	_ =	task [dreg:s22], $0x5FFFF  }
0xbb: {  	[dreg:$0x1] =	wrdreg $0xFFFFFFFF  }
0xbc: {  	[dreg:$0x0] =	wrdreg $0x60  }
0xbd: {  	[dreg:$0x2] =	wrdreg s24  }
0xbe: {  	[dreg:$0x3] =	wrdreg $0xA  }
0xbf: {  	_ =	task.clear_ibuf [dreg:s22], $0x4FFFF;
	_ =	strace $0x90000049  }
0xc0: {  	s29 =	simm.s32 $0xA;
	_ =	strace $0x8000004B  }
0xc1: {  	_ =	swait.ge [sflag:s29], $0x1  }
0xc2: {  	[sflag:s29] =	ssyncadd.s32 $0xFFFFFFFF  }
0xc3: {  	_ =	strace $0x9000004B  }
0xc4: {  	_ =	sfence  }
0xc5: {  	s30 =	sld [smem:$0x0];
	_ =	sdelay $0x2  }
0xc6: {  	s31 =	sshll.u32 s1, $0xD;
	s1 =	sshrl.u32 s1, $0x2  }
0xc7: {  	s4 =	sand.u32 $0x4000, s31;
	s1 =	sadd.s32 s1, s30  }
0xc8: {  	s0 =	sor.u32 s4, s0;
	s1 =	sshll.u32 s1, $0x11  }
0xc9: {  	s0 =	sor.u32 s1, s0  }
0xca: {  	s0 =	sadd.s32 $0x8F2B, s0  }
0xcb: {  	[sflag:s0] =	ssyncadd.remote.s32 $0x1  }
0xcc: {  	_ =	sfence.sel $0xFFFF  }
0xcd: {  	[dreg:$0x0] =	wrdreg $0xFFFFFFFF;
	(pc) =	sbr.abs _section_cstart, $3  }
0xce: {  	[dreg:$0x1] =	wrdreg $0xFFFFFFFF  }
0xcf: {  	_ =	task.clear_ibuf [dreg:s22], $0x2FFFF;
	_ =	strace $0x9FFFFFFF  }
0xd0: {  	(tm) =	ssettm $0x7FFFFFFF  }
0xd1: {  	_ =	shalt  }
tec
execute0_lowered:
.L_overlay_start_1:
0x0: {  	(tag) =	ssettag $0x1  }
0x1: {  	s1 =	srdreg.scid;
	s0 =	stileid.u32  }
0x2: {  	s6 =	sand.u32 $0x1, s1;
	s30 =	sshll.u32 s0, $0x1  }
0x3: {  	s8 =	rddreg [dreg:$0x0];
	s7 =	sor.u32 s6, s30  }
0x4: {  	s2 =	simm.s32 $0x0;
	s1 =	rddreg [dreg:$0x1];
	s3 =	smul.u32 $0x50, s7  }
0x5: {  	[smem:$0x7FF] =	sst s2;
	s5 =	sadd.s32 $0x49E000, s8  }
0x6: {  	_ =	strace $0x8000004A;
	s10 =	ssub.s32 $0x2, s6;
	s3 =	sadd.s32 s3, s8  }
0x7: {  	s6 =	simm.s32 $0x280;
	s4 =	sadd.s32 $0x5A200, s3;
	s3 =	simm.s32 $0x2  }
0x8: {  	[tilespmem:s2], [sflag:$0x2] =	stream.linear.gather [hbm4b:s4+s2], $0x280, $0x38;
	[tilespmem:$0x14280] =	vst v63  }
0x9: {  	s9 =	smul.u32 $0x2800, s7;
	s11 =	sshrl.u32 s10, $0x1;
	_ =	swait.ge [sflag:s3], $0x280  }
0xa: {  	s7 =	simm.s32 $0x1;
	s31 =	ssub.s32 s10, s11;
	[sflag:s3] =	ssyncset.done $0x0  }
0xb: {  	s8 =	sadd.s32 s9, s8;
	s9 =	smax.u32 s31, $0x1;
	[sflag:s3] =	ssyncadd.s32 $0xFFFFFD80  }
0xc: {  	[tilespmem:s6], [sflag:$0x1] =	stream.indirect.gather [hbm4b:s5+s6], $0x80, s2, s6, $0xb8;
	[tilespmem:$0x14280] =	vst v63  }
0xd: {  	p0 =	sne.s32 s9, $0x1;
	_ =	swait.ge [sflag:s7], $0x14000  }
.Ltmp0:
0xe: {  	[sflag:s7] =	ssyncset.done $0x0;
	(pc) =	sbr.rel @!p0 .LBB2_2-.Ltmp0, $4  }
0xf: {  	s8 =	sadd.s32 $0x5AC00, s8;
	[sflag:s7] =	ssyncadd.s32 $0xFFFEC000  }
0x10: {  	[hbm4b:s8+s2] =	stream.linear.scatter [tilespmem:s6], [sflag:$0x2], $0x14000, $0x38;
	[tilespmem:$0x14280] =	vst v63  }
0x11: {  	_ =	swait.ge [sflag:s3], $0x14000  }
0x12: {  	s9 =	sadd.s32 $0xFFFFFFFF, s9;
	[sflag:s3] =	ssyncset.done $0x0  }
.LBB2_1:
0x13: {  	p0 =	sne.s32 s9, $0x1;
	s9 =	sadd.s32 $0xFFFFFFFF, s9;
	[sflag:s3] =	ssyncadd.s32 $0xFFFEC000  }
0x14: {  	[tilespmem:s2], [sflag:$0x2] =	stream.linear.gather [hbm4b:s4+s2], $0x280, $0x38;
	[tilespmem:$0x14280] =	vst v63  }
0x15: {  	_ =	swait.ge [sflag:s3], $0x280  }
0x16: {  	[sflag:s3] =	ssyncset.done $0x0  }
0x17: {  	[sflag:s3] =	ssyncadd.s32 $0xFFFFFD80  }
0x18: {  	[tilespmem:s6], [sflag:$0x1] =	stream.indirect.gather [hbm4b:s5+s6], $0x80, s2, s6, $0xb8;
	[tilespmem:$0x14280] =	vst v63  }
0x19: {  	_ =	swait.ge [sflag:s7], $0x14000  }
.Ltmp1:
0x1a: {  	[sflag:s7] =	ssyncset.done $0x0;
	(pc) =	sbr.rel @p0 .LBB2_1-.Ltmp1, $4  }
0x1b: {  	[sflag:s7] =	ssyncadd.s32 $0xFFFEC000  }
0x1c: {  	[hbm4b:s8+s2] =	stream.linear.scatter [tilespmem:s6], [sflag:$0x2], $0x14000, $0x38;
	[tilespmem:$0x14280] =	vst v63  }
0x1d: {  	_ =	swait.ge [sflag:s3], $0x14000  }
0x1e: {  	[sflag:s3] =	ssyncset.done $0x0  }
.LBB2_2:
0x1f: {  	[sflag:s3] =	ssyncadd.s32 $0xFFFEC000  }
0x20: {  	_ =	sfence.sel $0x180000  }
0x21: {  	[bflag:$0x0] =	sbarrier.arrive $0xFFFF  }
0x22: {  	p0 =	sne.s32 s0, $0x0;
	_ =	strace $0x9000004A  }
0x23: {  	s0 =	sadd.s32 @!p0 $0x100000, s1;
	[bflag:$0x2] =	sbarrier.arrive $0xFFFF  }
0x24: {  	[sflag:s0] =	ssyncadd.tile.s32 @!p0 $0x1;
	_ =	shalt  }
.Lfunc_end2:
_tile_overlayer_lowered:
.L_overlay_start_2:
0x25: {  	(tag) =	ssettag $0x2  }
0x26: {  	s0 =	rddreg [dreg:$0x0];
	s2 =	stileid.u32  }
0x27: {  	s1 =	rddreg [dreg:$0x1];
	p0 =	sne.s32 s2, $0x0  }
0x28: {  	s3 =	rddreg [dreg:$0x2];
	[bflag:$0x3] =	sbarrier.arrive $0xFFFF;
	s2 =	simm.s32 @!p0 $0x1C02  }
0x29: {  	[timem:s3], [sflag:s2] =	dma.local @!p0 [hbm:s0], s1  }
0x2a: {  	s0 =	simm.s32 @!p0 $0x2  }
0x2b: {  	_ =	swait.ge @!p0 [sflag:s0], s1  }
0x2c: {  	s1 =	ssub.s32 @!p0 $0x0, s1;
	[sflag:s0] =	ssyncset.done @!p0 $0x0  }
0x2d: {  	[sflag:s0] =	ssyncadd.s32 @!p0 s1  }
0x2e: {  	[bflag:$0x3] =	sbarrier.arrive $0xFFFF  }
0x2f: {  	_ =	shalt  }

</sc_bundles>
